<compile_context>
chip_gen: v7x
topology: tpu7x:2x2x1
jax: 0.10.2.dev20260603
libtpu: 0.0.44.dev20260713+nightly
codegen_flags: <defaults>
</compile_context>

<pallas_src>
import functools

import jax
import jax.numpy as jnp
from jax import lax
from jax.experimental import pallas as pl
from jax.experimental.pallas import tpu as pltpu
from jax.experimental.pallas import tpu_sc as plsc

VOCAB = 1000001
DIM = 64
L = 200
B = 4096

NUM_CORES = 2
NUM_SUBCORES = 16
NW = NUM_CORES * NUM_SUBCORES
CPW = B // NW

VB = 8192
TC_GRID = -(-VOCAB // VB)



def _tvec_body(tab_ref, w_ref, b_ref, t_ref):
    w = w_ref[...]
    tb = tab_ref[...]
    s = jax.lax.dot_general(w, tb, (((1,), (1,)), ((), ())),
                            preferred_element_type=jnp.float32)
    t_ref[...] = ((s + b_ref[0]) * (1.0 / L)).reshape(1, 1, VB)


def _tvec(table, W, b):
    return pl.pallas_call(
        _tvec_body,
        grid=(TC_GRID,),
        in_specs=[
            pl.BlockSpec((VB, DIM), lambda i: (i, 0)),
            pl.BlockSpec((1, DIM), lambda i: (0, 0)),
            pl.BlockSpec(memory_space=pltpu.SMEM),
        ],
        out_specs=pl.BlockSpec((1, 1, VB), lambda i: (i, 0, 0)),
        out_shape=jax.ShapeDtypeStruct((TC_GRID, 1, VB), jnp.float32),
    )(table, W, b)



_CHUNK = 8
_NCHUNK = L // _CHUNK


def _sc_pool_body(t_hbm, x_hbm, out_hbm, idx_v, s_v, o_v, sem):
    wid = lax.axis_index("s") * NUM_CORES + lax.axis_index("c")
    base = wid * CPW
    pltpu.sync_copy(x_hbm.at[:, pl.ds(base, CPW)], idx_v)

    def fire_drain(c, _):
        for i in range(_CHUNK):
            l = c * _CHUNK + i
            pltpu.async_copy(t_hbm.at[idx_v.at[l]], s_v.at[l], sem)
        for i in range(_CHUNK):
            l = c * _CHUNK + i
            pltpu.make_async_copy(t_hbm.at[idx_v.at[l]], s_v.at[l], sem).wait()
        return _

    lax.fori_loop(0, _NCHUNK, fire_drain, 0, unroll=False)

    for jg in range(CPW // 16):
        def add_row(l, acc):
            return acc + s_v[l, pl.ds(jg * 16, 16)]
        acc = lax.fori_loop(0, L, add_row, jnp.zeros((16,), jnp.float32))
        o_v[pl.ds(jg * 16, 16)] = acc

    pltpu.sync_copy(o_v, out_hbm.at[pl.ds(base, CPW)])


@functools.lru_cache(maxsize=1)
def _sc_pool():
    return pl.kernel(
        _sc_pool_body,
        out_type=jax.ShapeDtypeStruct((B,), jnp.float32),
        mesh=plsc.VectorSubcoreMesh(core_axis_name="c", subcore_axis_name="s"),
        scratch_types=[
            pltpu.VMEM((L, CPW), jnp.int32),
            pltpu.VMEM((L, CPW), jnp.float32),
            pltpu.VMEM((CPW,), jnp.float32),
            pltpu.SemaphoreType.DMA,
        ],
    )


def kernel(x, table, W, b):
    xi = x.astype(jnp.int32)
    t = _tvec(table, W, b).reshape(TC_GRID * VB)
    return _sc_pool()(t, xi)

# --- scband reference (transcript-rebuilt; emitter-appended) ---
"""Pipeline reference for scband-baseline-model-87325275062290 (READ-ONLY COPY).

The authoritative reference and input builder live on the scoring server;
editing this copy changes nothing except your own understanding.
"""

import jax, jax.numpy as jnp
import numpy as np

VOCAB = 1000001  # 1000000 pretrained rows + 1 duplicated last row (torch.cat in snippet)
DIM = 64
L = 200
B = 4096


def setup_inputs(seed: int = 0) -> dict:
    key = jax.random.key(seed)
    k1, k2, k3, k4 = jax.random.split(key, 4)
    x = jax.random.randint(k1, (L, B), 0, VOCAB, dtype=jnp.int64)
    table = jax.random.normal(k2, (VOCAB, DIM), dtype=jnp.float32)
    W = jax.random.normal(k3, (1, DIM), dtype=jnp.float32) * 0.05
    b = jax.random.normal(k4, (1,), dtype=jnp.float32) * 0.05
    return {"x": x, "table": table, "W": W, "b": b}


def reference(x, table, W, b):
    # emb = self.embedding(x) -> gather rows from pretrained table
    emb = jnp.take(table, x, axis=0)          # [L, B, D]
    # sent_emb = emb.mean(dim=0)
    sent_emb = emb.mean(axis=0)               # [B, D]
    # logits = self.fc(sent_emb).squeeze(1)
    logits = sent_emb @ W.T + b               # [B, 1]
    return jnp.squeeze(logits, axis=1)        # [B]

if __name__ == "__main__":
    import jax
    _d = setup_inputs()
    print(jax.jit(kernel)(*tuple(_d.values())))

</pallas_src>

<mosaic_0001>
#map = affine_map<(d0, d1) -> (0)>
#map1 = affine_map<(d0, d1) -> (0, 0)>
module attributes {stable_mosaic.version = 14 : i64} {
  func.func @_sc_pool_body(%arg0: i32, %arg1: i32, %arg2: memref<1007616xf32, #tpu.memory_space<hbm>>, %arg3: memref<200x4096xi32, #tpu.memory_space<hbm>>, %arg4: memref<4096xf32, #tpu.memory_space<hbm>>, %arg5: memref<200x128xi32, #tpu.memory_space<vmem>>, %arg6: memref<200x128xf32, #tpu.memory_space<vmem>>, %arg7: memref<128xf32, #tpu.memory_space<vmem>>, %arg8: memref<!tpu.dma_semaphore, #tpu.memory_space<semaphore_mem>>) attributes {dimension_semantics = [#tpu.dimension_semantics<core_parallel>, #tpu.dimension_semantics<subcore_parallel>], iteration_bounds = array<i64: 2, 16>, scalar_prefetch = 0 : i64, scratch_operands = 4 : i64, tpu.core_type = #tpu.core_type<sc_vector_subcore>, window_params = [{transform_indices = #map}, {transform_indices = #map1}, {transform_indices = #map}]} {
    %mul3A = arith.constant 2 : i32
    %mul3A_0 = arith.muli %arg1, %mul3A : i32
    %add3A = arith.addi %mul3A_0, %arg0 : i32
    %mul3A_1 = arith.constant 128 : i32
    %mul3A_2 = arith.muli %add3A, %mul3A_1 : i32
    "tpu.region"() ({
      %run_scoped3A = tpu.sem_alloc : memref<!tpu.dma_semaphore, #tpu.memory_space<semaphore_mem>>
      %dma_start3A = arith.constant 0 : i32
      %dma_start3A_102 = tpu.memref_slice %arg3[%dma_start3A, %mul3A_2] : memref<200x4096xi32, #tpu.memory_space<hbm>> -> memref<200x128xi32, #tpu.memory_space<hbm>>
      %dma_start3A_103 = arith.constant 0 : i32
      %dma_start3A_104 = tpu.memref_slice %arg3[%dma_start3A_103, %mul3A_2] : memref<200x4096xi32, #tpu.memory_space<hbm>> -> memref<200x128xi32, #tpu.memory_space<hbm>>
      tpu.enqueue_dma source(%dma_start3A_104 : memref<200x128xi32, #tpu.memory_space<hbm>>) target(%arg5 : memref<200x128xi32, #tpu.memory_space<vmem>>) target_semaphore(%run_scoped3A : memref<!tpu.dma_semaphore, #tpu.memory_space<semaphore_mem>>)
      %dma_wait3A = arith.constant 0 : i32
      %dma_wait3A_105 = tpu.memref_slice %arg3[%dma_wait3A, %mul3A_2] : memref<200x4096xi32, #tpu.memory_space<hbm>> -> memref<200x128xi32, #tpu.memory_space<hbm>>
      %dma_wait3A_106 = arith.constant 0 : i32
      %dma_wait3A_107 = tpu.memref_slice %arg3[%dma_wait3A_106, %mul3A_2] : memref<200x4096xi32, #tpu.memory_space<hbm>> -> memref<200x128xi32, #tpu.memory_space<hbm>>
      tpu.wait_dma2 semaphore(%run_scoped3A : memref<!tpu.dma_semaphore, #tpu.memory_space<semaphore_mem>>) src(%dma_wait3A_107 : memref<200x128xi32, #tpu.memory_space<hbm>>) dst(%arg5 : memref<200x128xi32, #tpu.memory_space<vmem>>)
      tpu.yield
    }) : () -> ()
    %scan3A = arith.constant 0 : i32
    %scan3A_3 = arith.constant 0 : i32
    %scan3A_4 = arith.constant 25 : i32
    %scan3A_5 = arith.addi %scan3A_3, %scan3A_4 : i32
    %scan3A_6 = arith.constant 1 : i32
    scf.for %scan3A_102 = %scan3A_3 to %scan3A_5 step %scan3A_6  : i32 {
      %mul3A_103 = arith.constant 8 : i32
      %mul3A_104 = arith.muli %scan3A_102, %mul3A_103 : i32
      %add3A_105 = arith.constant 0 : i32
      %add3A_106 = arith.addi %mul3A_104, %add3A_105 : i32
      %dma_start3A = arith.constant 0 : i32
      %dma_start3A_107 = tpu.memref_slice %arg6[%add3A_106, %dma_start3A] : memref<200x128xf32, #tpu.memory_space<vmem>> -> memref<1x128xf32, #tpu.memory_space<vmem>>
      %dma_start3A_108 = tpu.memref_squeeze %dma_start3A_107 : memref<1x128xf32, #tpu.memory_space<vmem>> -> memref<128xf32, #tpu.memory_space<vmem>>
      %dma_start3A_109 = arith.constant 0 : i32
      %dma_start3A_110 = tpu.memref_slice %arg5[%add3A_106, %dma_start3A_109] : memref<200x128xi32, #tpu.memory_space<vmem>> -> memref<1x128xi32, #tpu.memory_space<vmem>>
      %dma_start3A_111 = tpu.memref_squeeze %dma_start3A_110 : memref<1x128xi32, #tpu.memory_space<vmem>> -> memref<128xi32, #tpu.memory_space<vmem>>
      %dma_start3A_112 = arith.constant 0 : i32
      %dma_start3A_113 = tpu.memref_slice %arg2[%dma_start3A_112] : memref<1007616xf32, #tpu.memory_space<hbm>> -> memref<1007616xf32, #tpu.memory_space<hbm>>
      tpu.enqueue_indirect_dma source(%dma_start3A_113 : memref<1007616xf32, #tpu.memory_space<hbm>>) target(%dma_start3A_108 : memref<128xf32, #tpu.memory_space<vmem>>) offsets(%dma_start3A_111 : memref<128xi32, #tpu.memory_space<vmem>>) semaphore(%arg8 : memref<!tpu.dma_semaphore, #tpu.memory_space<semaphore_mem>>)
      %mul3A_114 = arith.constant 8 : i32
      %mul3A_115 = arith.muli %scan3A_102, %mul3A_114 : i32
      %add3A_116 = arith.constant 1 : i32
      %add3A_117 = arith.addi %mul3A_115, %add3A_116 : i32
      %dma_start3A_118 = arith.constant 0 : i32
      %dma_start3A_119 = tpu.memref_slice %arg6[%add3A_117, %dma_start3A_118] : memref<200x128xf32, #tpu.memory_space<vmem>> -> memref<1x128xf32, #tpu.memory_space<vmem>>
      %dma_start3A_120 = tpu.memref_squeeze %dma_start3A_119 : memref<1x128xf32, #tpu.memory_space<vmem>> -> memref<128xf32, #tpu.memory_space<vmem>>
      %dma_start3A_121 = arith.constant 0 : i32
      %dma_start3A_122 = tpu.memref_slice %arg5[%add3A_117, %dma_start3A_121] : memref<200x128xi32, #tpu.memory_space<vmem>> -> memref<1x128xi32, #tpu.memory_space<vmem>>
      %dma_start3A_123 = tpu.memref_squeeze %dma_start3A_122 : memref<1x128xi32, #tpu.memory_space<vmem>> -> memref<128xi32, #tpu.memory_space<vmem>>
      %dma_start3A_124 = arith.constant 0 : i32
      %dma_start3A_125 = tpu.memref_slice %arg2[%dma_start3A_124] : memref<1007616xf32, #tpu.memory_space<hbm>> -> memref<1007616xf32, #tpu.memory_space<hbm>>
      tpu.enqueue_indirect_dma source(%dma_start3A_125 : memref<1007616xf32, #tpu.memory_space<hbm>>) target(%dma_start3A_120 : memref<128xf32, #tpu.memory_space<vmem>>) offsets(%dma_start3A_123 : memref<128xi32, #tpu.memory_space<vmem>>) semaphore(%arg8 : memref<!tpu.dma_semaphore, #tpu.memory_space<semaphore_mem>>)
      %mul3A_126 = arith.constant 8 : i32
      %mul3A_127 = arith.muli %scan3A_102, %mul3A_126 : i32
      %add3A_128 = arith.constant 2 : i32
      %add3A_129 = arith.addi %mul3A_127, %add3A_128 : i32
      %dma_start3A_130 = arith.constant 0 : i32
      %dma_start3A_131 = tpu.memref_slice %arg6[%add3A_129, %dma_start3A_130] : memref<200x128xf32, #tpu.memory_space<vmem>> -> memref<1x128xf32, #tpu.memory_space<vmem>>
      %dma_start3A_132 = tpu.memref_squeeze %dma_start3A_131 : memref<1x128xf32, #tpu.memory_space<vmem>> -> memref<128xf32, #tpu.memory_space<vmem>>
      %dma_start3A_133 = arith.constant 0 : i32
      %dma_start3A_134 = tpu.memref_slice %arg5[%add3A_129, %dma_start3A_133] : memref<200x128xi32, #tpu.memory_space<vmem>> -> memref<1x128xi32, #tpu.memory_space<vmem>>
      %dma_start3A_135 = tpu.memref_squeeze %dma_start3A_134 : memref<1x128xi32, #tpu.memory_space<vmem>> -> memref<128xi32, #tpu.memory_space<vmem>>
      %dma_start3A_136 = arith.constant 0 : i32
      %dma_start3A_137 = tpu.memref_slice %arg2[%dma_start3A_136] : memref<1007616xf32, #tpu.memory_space<hbm>> -> memref<1007616xf32, #tpu.memory_space<hbm>>
      tpu.enqueue_indirect_dma source(%dma_start3A_137 : memref<1007616xf32, #tpu.memory_space<hbm>>) target(%dma_start3A_132 : memref<128xf32, #tpu.memory_space<vmem>>) offsets(%dma_start3A_135 : memref<128xi32, #tpu.memory_space<vmem>>) semaphore(%arg8 : memref<!tpu.dma_semaphore, #tpu.memory_space<semaphore_mem>>)
      %mul3A_138 = arith.constant 8 : i32
      %mul3A_139 = arith.muli %scan3A_102, %mul3A_138 : i32
      %add3A_140 = arith.constant 3 : i32
      %add3A_141 = arith.addi %mul3A_139, %add3A_140 : i32
      %dma_start3A_142 = arith.constant 0 : i32
      %dma_start3A_143 = tpu.memref_slice %arg6[%add3A_141, %dma_start3A_142] : memref<200x128xf32, #tpu.memory_space<vmem>> -> memref<1x128xf32, #tpu.memory_space<vmem>>
      %dma_start3A_144 = tpu.memref_squeeze %dma_start3A_143 : memref<1x128xf32, #tpu.memory_space<vmem>> -> memref<128xf32, #tpu.memory_space<vmem>>
      %dma_start3A_145 = arith.constant 0 : i32
      %dma_start3A_146 = tpu.memref_slice %arg5[%add3A_141, %dma_start3A_145] : memref<200x128xi32, #tpu.memory_space<vmem>> -> memref<1x128xi32, #tpu.memory_space<vmem>>
      %dma_start3A_147 = tpu.memref_squeeze %dma_start3A_146 : memref<1x128xi32, #tpu.memory_space<vmem>> -> memref<128xi32, #tpu.memory_space<vmem>>
      %dma_start3A_148 = arith.constant 0 : i32
      %dma_start3A_149 = tpu.memref_slice %arg2[%dma_start3A_148] : memref<1007616xf32, #tpu.memory_space<hbm>> -> memref<1007616xf32, #tpu.memory_space<hbm>>
      tpu.enqueue_indirect_dma source(%dma_start3A_149 : memref<1007616xf32, #tpu.memory_space<hbm>>) target(%dma_start3A_144 : memref<128xf32, #tpu.memory_space<vmem>>) offsets(%dma_start3A_147 : memref<128xi32, #tpu.memory_space<vmem>>) semaphore(%arg8 : memref<!tpu.dma_semaphore, #tpu.memory_space<semaphore_mem>>)
      %mul3A_150 = arith.constant 8 : i32
      %mul3A_151 = arith.muli %scan3A_102, %mul3A_150 : i32
      %add3A_152 = arith.constant 4 : i32
      %add3A_153 = arith.addi %mul3A_151, %add3A_152 : i32
      %dma_start3A_154 = arith.constant 0 : i32
      %dma_start3A_155 = tpu.memref_slice %arg6[%add3A_153, %dma_start3A_154] : memref<200x128xf32, #tpu.memory_space<vmem>> -> memref<1x128xf32, #tpu.memory_space<vmem>>
      %dma_start3A_156 = tpu.memref_squeeze %dma_start3A_155 : memref<1x128xf32, #tpu.memory_space<vmem>> -> memref<128xf32, #tpu.memory_space<vmem>>
      %dma_start3A_157 = arith.constant 0 : i32
      %dma_start3A_158 = tpu.memref_slice %arg5[%add3A_153, %dma_start3A_157] : memref<200x128xi32, #tpu.memory_space<vmem>> -> memref<1x128xi32, #tpu.memory_space<vmem>>
      %dma_start3A_159 = tpu.memref_squeeze %dma_start3A_158 : memref<1x128xi32, #tpu.memory_space<vmem>> -> memref<128xi32, #tpu.memory_space<vmem>>
      %dma_start3A_160 = arith.constant 0 : i32
      %dma_start3A_161 = tpu.memref_slice %arg2[%dma_start3A_160] : memref<1007616xf32, #tpu.memory_space<hbm>> -> memref<1007616xf32, #tpu.memory_space<hbm>>
      tpu.enqueue_indirect_dma source(%dma_start3A_161 : memref<1007616xf32, #tpu.memory_space<hbm>>) target(%dma_start3A_156 : memref<128xf32, #tpu.memory_space<vmem>>) offsets(%dma_start3A_159 : memref<128xi32, #tpu.memory_space<vmem>>) semaphore(%arg8 : memref<!tpu.dma_semaphore, #tpu.memory_space<semaphore_mem>>)
      %mul3A_162 = arith.constant 8 : i32
      %mul3A_163 = arith.muli %scan3A_102, %mul3A_162 : i32
      %add3A_164 = arith.constant 5 : i32
      %add3A_165 = arith.addi %mul3A_163, %add3A_164 : i32
      %dma_start3A_166 = arith.constant 0 : i32
      %dma_start3A_167 = tpu.memref_slice %arg6[%add3A_165, %dma_start3A_166] : memref<200x128xf32, #tpu.memory_space<vmem>> -> memref<1x128xf32, #tpu.memory_space<vmem>>
      %dma_start3A_168 = tpu.memref_squeeze %dma_start3A_167 : memref<1x128xf32, #tpu.memory_space<vmem>> -> memref<128xf32, #tpu.memory_space<vmem>>
      %dma_start3A_169 = arith.constant 0 : i32
      %dma_start3A_170 = tpu.memref_slice %arg5[%add3A_165, %dma_start3A_169] : memref<200x128xi32, #tpu.memory_space<vmem>> -> memref<1x128xi32, #tpu.memory_space<vmem>>
      %dma_start3A_171 = tpu.memref_squeeze %dma_start3A_170 : memref<1x128xi32, #tpu.memory_space<vmem>> -> memref<128xi32, #tpu.memory_space<vmem>>
      %dma_start3A_172 = arith.constant 0 : i32
      %dma_start3A_173 = tpu.memref_slice %arg2[%dma_start3A_172] : memref<1007616xf32, #tpu.memory_space<hbm>> -> memref<1007616xf32, #tpu.memory_space<hbm>>
      tpu.enqueue_indirect_dma source(%dma_start3A_173 : memref<1007616xf32, #tpu.memory_space<hbm>>) target(%dma_start3A_168 : memref<128xf32, #tpu.memory_space<vmem>>) offsets(%dma_start3A_171 : memref<128xi32, #tpu.memory_space<vmem>>) semaphore(%arg8 : memref<!tpu.dma_semaphore, #tpu.memory_space<semaphore_mem>>)
      %mul3A_174 = arith.constant 8 : i32
      %mul3A_175 = arith.muli %scan3A_102, %mul3A_174 : i32
      %add3A_176 = arith.constant 6 : i32
      %add3A_177 = arith.addi %mul3A_175, %add3A_176 : i32
      %dma_start3A_178 = arith.constant 0 : i32
      %dma_start3A_179 = tpu.memref_slice %arg6[%add3A_177, %dma_start3A_178] : memref<200x128xf32, #tpu.memory_space<vmem>> -> memref<1x128xf32, #tpu.memory_space<vmem>>
      %dma_start3A_180 = tpu.memref_squeeze %dma_start3A_179 : memref<1x128xf32, #tpu.memory_space<vmem>> -> memref<128xf32, #tpu.memory_space<vmem>>
      %dma_start3A_181 = arith.constant 0 : i32
      %dma_start3A_182 = tpu.memref_slice %arg5[%add3A_177, %dma_start3A_181] : memref<200x128xi32, #tpu.memory_space<vmem>> -> memref<1x128xi32, #tpu.memory_space<vmem>>
      %dma_start3A_183 = tpu.memref_squeeze %dma_start3A_182 : memref<1x128xi32, #tpu.memory_space<vmem>> -> memref<128xi32, #tpu.memory_space<vmem>>
      %dma_start3A_184 = arith.constant 0 : i32
      %dma_start3A_185 = tpu.memref_slice %arg2[%dma_start3A_184] : memref<1007616xf32, #tpu.memory_space<hbm>> -> memref<1007616xf32, #tpu.memory_space<hbm>>
      tpu.enqueue_indirect_dma source(%dma_start3A_185 : memref<1007616xf32, #tpu.memory_space<hbm>>) target(%dma_start3A_180 : memref<128xf32, #tpu.memory_space<vmem>>) offsets(%dma_start3A_183 : memref<128xi32, #tpu.memory_space<vmem>>) semaphore(%arg8 : memref<!tpu.dma_semaphore, #tpu.memory_space<semaphore_mem>>)
      %mul3A_186 = arith.constant 8 : i32
      %mul3A_187 = arith.muli %scan3A_102, %mul3A_186 : i32
      %add3A_188 = arith.constant 7 : i32
      %add3A_189 = arith.addi %mul3A_187, %add3A_188 : i32
      %dma_start3A_190 = arith.constant 0 : i32
      %dma_start3A_191 = tpu.memref_slice %arg6[%add3A_189, %dma_start3A_190] : memref<200x128xf32, #tpu.memory_space<vmem>> -> memref<1x128xf32, #tpu.memory_space<vmem>>
      %dma_start3A_192 = tpu.memref_squeeze %dma_start3A_191 : memref<1x128xf32, #tpu.memory_space<vmem>> -> memref<128xf32, #tpu.memory_space<vmem>>
      %dma_start3A_193 = arith.constant 0 : i32
      %dma_start3A_194 = tpu.memref_slice %arg5[%add3A_189, %dma_start3A_193] : memref<200x128xi32, #tpu.memory_space<vmem>> -> memref<1x128xi32, #tpu.memory_space<vmem>>
      %dma_start3A_195 = tpu.memref_squeeze %dma_start3A_194 : memref<1x128xi32, #tpu.memory_space<vmem>> -> memref<128xi32, #tpu.memory_space<vmem>>
      %dma_start3A_196 = arith.constant 0 : i32
      %dma_start3A_197 = tpu.memref_slice %arg2[%dma_start3A_196] : memref<1007616xf32, #tpu.memory_space<hbm>> -> memref<1007616xf32, #tpu.memory_space<hbm>>
      tpu.enqueue_indirect_dma source(%dma_start3A_197 : memref<1007616xf32, #tpu.memory_space<hbm>>) target(%dma_start3A_192 : memref<128xf32, #tpu.memory_space<vmem>>) offsets(%dma_start3A_195 : memref<128xi32, #tpu.memory_space<vmem>>) semaphore(%arg8 : memref<!tpu.dma_semaphore, #tpu.memory_space<semaphore_mem>>)
      %mul3A_198 = arith.constant 8 : i32
      %mul3A_199 = arith.muli %scan3A_102, %mul3A_198 : i32
      %add3A_200 = arith.constant 0 : i32
      %add3A_201 = arith.addi %mul3A_199, %add3A_200 : i32
      %dma_wait3A = arith.constant 0 : i32
      %dma_wait3A_202 = tpu.memref_slice %arg6[%add3A_201, %dma_wait3A] : memref<200x128xf32, #tpu.memory_space<vmem>> -> memref<1x128xf32, #tpu.memory_space<vmem>>
      %dma_wait3A_203 = tpu.memref_squeeze %dma_wait3A_202 : memref<1x128xf32, #tpu.memory_space<vmem>> -> memref<128xf32, #tpu.memory_space<vmem>>
      %dma_wait3A_204 = arith.constant 0 : i32
      %dma_wait3A_205 = tpu.memref_slice %arg5[%add3A_201, %dma_wait3A_204] : memref<200x128xi32, #tpu.memory_space<vmem>> -> memref<1x128xi32, #tpu.memory_space<vmem>>
      %dma_wait3A_206 = tpu.memref_squeeze %dma_wait3A_205 : memref<1x128xi32, #tpu.memory_space<vmem>> -> memref<128xi32, #tpu.memory_space<vmem>>
      %dma_wait3A_207 = arith.constant 0 : i32
      %dma_wait3A_208 = tpu.memref_slice %arg2[%dma_wait3A_207] : memref<1007616xf32, #tpu.memory_space<hbm>> -> memref<1007616xf32, #tpu.memory_space<hbm>>
      tpu.wait_indirect_dma semaphore(%arg8 : memref<!tpu.dma_semaphore, #tpu.memory_space<semaphore_mem>>) src(%dma_wait3A_208 : memref<1007616xf32, #tpu.memory_space<hbm>>) dst(%dma_wait3A_203 : memref<128xf32, #tpu.memory_space<vmem>>)
      %mul3A_209 = arith.constant 8 : i32
      %mul3A_210 = arith.muli %scan3A_102, %mul3A_209 : i32
      %add3A_211 = arith.constant 1 : i32
      %add3A_212 = arith.addi %mul3A_210, %add3A_211 : i32
      %dma_wait3A_213 = arith.constant 0 : i32
      %dma_wait3A_214 = tpu.memref_slice %arg6[%add3A_212, %dma_wait3A_213] : memref<200x128xf32, #tpu.memory_space<vmem>> -> memref<1x128xf32, #tpu.memory_space<vmem>>
      %dma_wait3A_215 = tpu.memref_squeeze %dma_wait3A_214 : memref<1x128xf32, #tpu.memory_space<vmem>> -> memref<128xf32, #tpu.memory_space<vmem>>
      %dma_wait3A_216 = arith.constant 0 : i32
      %dma_wait3A_217 = tpu.memref_slice %arg5[%add3A_212, %dma_wait3A_216] : memref<200x128xi32, #tpu.memory_space<vmem>> -> memref<1x128xi32, #tpu.memory_space<vmem>>
      %dma_wait3A_218 = tpu.memref_squeeze %dma_wait3A_217 : memref<1x128xi32, #tpu.memory_space<vmem>> -> memref<128xi32, #tpu.memory_space<vmem>>
      %dma_wait3A_219 = arith.constant 0 : i32
      %dma_wait3A_220 = tpu.memref_slice %arg2[%dma_wait3A_219] : memref<1007616xf32, #tpu.memory_space<hbm>> -> memref<1007616xf32, #tpu.memory_space<hbm>>
      tpu.wait_indirect_dma semaphore(%arg8 : memref<!tpu.dma_semaphore, #tpu.memory_space<semaphore_mem>>) src(%dma_wait3A_220 : memref<1007616xf32, #tpu.memory_space<hbm>>) dst(%dma_wait3A_215 : memref<128xf32, #tpu.memory_space<vmem>>)
      %mul3A_221 = arith.constant 8 : i32
      %mul3A_222 = arith.muli %scan3A_102, %mul3A_221 : i32
      %add3A_223 = arith.constant 2 : i32
      %add3A_224 = arith.addi %mul3A_222, %add3A_223 : i32
      %dma_wait3A_225 = arith.constant 0 : i32
      %dma_wait3A_226 = tpu.memref_slice %arg6[%add3A_224, %dma_wait3A_225] : memref<200x128xf32, #tpu.memory_space<vmem>> -> memref<1x128xf32, #tpu.memory_space<vmem>>
      %dma_wait3A_227 = tpu.memref_squeeze %dma_wait3A_226 : memref<1x128xf32, #tpu.memory_space<vmem>> -> memref<128xf32, #tpu.memory_space<vmem>>
      %dma_wait3A_228 = arith.constant 0 : i32
      %dma_wait3A_229 = tpu.memref_slice %arg5[%add3A_224, %dma_wait3A_228] : memref<200x128xi32, #tpu.memory_space<vmem>> -> memref<1x128xi32, #tpu.memory_space<vmem>>
      %dma_wait3A_230 = tpu.memref_squeeze %dma_wait3A_229 : memref<1x128xi32, #tpu.memory_space<vmem>> -> memref<128xi32, #tpu.memory_space<vmem>>
      %dma_wait3A_231 = arith.constant 0 : i32
      %dma_wait3A_232 = tpu.memref_slice %arg2[%dma_wait3A_231] : memref<1007616xf32, #tpu.memory_space<hbm>> -> memref<1007616xf32, #tpu.memory_space<hbm>>
      tpu.wait_indirect_dma semaphore(%arg8 : memref<!tpu.dma_semaphore, #tpu.memory_space<semaphore_mem>>) src(%dma_wait3A_232 : memref<1007616xf32, #tpu.memory_space<hbm>>) dst(%dma_wait3A_227 : memref<128xf32, #tpu.memory_space<vmem>>)
      %mul3A_233 = arith.constant 8 : i32
      %mul3A_234 = arith.muli %scan3A_102, %mul3A_233 : i32
      %add3A_235 = arith.constant 3 : i32
      %add3A_236 = arith.addi %mul3A_234, %add3A_235 : i32
      %dma_wait3A_237 = arith.constant 0 : i32
      %dma_wait3A_238 = tpu.memref_slice %arg6[%add3A_236, %dma_wait3A_237] : memref<200x128xf32, #tpu.memory_space<vmem>> -> memref<1x128xf32, #tpu.memory_space<vmem>>
      %dma_wait3A_239 = tpu.memref_squeeze %dma_wait3A_238 : memref<1x128xf32, #tpu.memory_space<vmem>> -> memref<128xf32, #tpu.memory_space<vmem>>
      %dma_wait3A_240 = arith.constant 0 : i32
      %dma_wait3A_241 = tpu.memref_slice %arg5[%add3A_236, %dma_wait3A_240] : memref<200x128xi32, #tpu.memory_space<vmem>> -> memref<1x128xi32, #tpu.memory_space<vmem>>
      %dma_wait3A_242 = tpu.memref_squeeze %dma_wait3A_241 : memref<1x128xi32, #tpu.memory_space<vmem>> -> memref<128xi32, #tpu.memory_space<vmem>>
      %dma_wait3A_243 = arith.constant 0 : i32
      %dma_wait3A_244 = tpu.memref_slice %arg2[%dma_wait3A_243] : memref<1007616xf32, #tpu.memory_space<hbm>> -> memref<1007616xf32, #tpu.memory_space<hbm>>
      tpu.wait_indirect_dma semaphore(%arg8 : memref<!tpu.dma_semaphore, #tpu.memory_space<semaphore_mem>>) src(%dma_wait3A_244 : memref<1007616xf32, #tpu.memory_space<hbm>>) dst(%dma_wait3A_239 : memref<128xf32, #tpu.memory_space<vmem>>)
      %mul3A_245 = arith.constant 8 : i32
      %mul3A_246 = arith.muli %scan3A_102, %mul3A_245 : i32
      %add3A_247 = arith.constant 4 : i32
      %add3A_248 = arith.addi %mul3A_246, %add3A_247 : i32
      %dma_wait3A_249 = arith.constant 0 : i32
      %dma_wait3A_250 = tpu.memref_slice %arg6[%add3A_248, %dma_wait3A_249] : memref<200x128xf32, #tpu.memory_space<vmem>> -> memref<1x128xf32, #tpu.memory_space<vmem>>
      %dma_wait3A_251 = tpu.memref_squeeze %dma_wait3A_250 : memref<1x128xf32, #tpu.memory_space<vmem>> -> memref<128xf32, #tpu.memory_space<vmem>>
      %dma_wait3A_252 = arith.constant 0 : i32
      %dma_wait3A_253 = tpu.memref_slice %arg5[%add3A_248, %dma_wait3A_252] : memref<200x128xi32, #tpu.memory_space<vmem>> -> memref<1x128xi32, #tpu.memory_space<vmem>>
      %dma_wait3A_254 = tpu.memref_squeeze %dma_wait3A_253 : memref<1x128xi32, #tpu.memory_space<vmem>> -> memref<128xi32, #tpu.memory_space<vmem>>
      %dma_wait3A_255 = arith.constant 0 : i32
      %dma_wait3A_256 = tpu.memref_slice %arg2[%dma_wait3A_255] : memref<1007616xf32, #tpu.memory_space<hbm>> -> memref<1007616xf32, #tpu.memory_space<hbm>>
      tpu.wait_indirect_dma semaphore(%arg8 : memref<!tpu.dma_semaphore, #tpu.memory_space<semaphore_mem>>) src(%dma_wait3A_256 : memref<1007616xf32, #tpu.memory_space<hbm>>) dst(%dma_wait3A_251 : memref<128xf32, #tpu.memory_space<vmem>>)
      %mul3A_257 = arith.constant 8 : i32
      %mul3A_258 = arith.muli %scan3A_102, %mul3A_257 : i32
      %add3A_259 = arith.constant 5 : i32
      %add3A_260 = arith.addi %mul3A_258, %add3A_259 : i32
      %dma_wait3A_261 = arith.constant 0 : i32
      %dma_wait3A_262 = tpu.memref_slice %arg6[%add3A_260, %dma_wait3A_261] : memref<200x128xf32, #tpu.memory_space<vmem>> -> memref<1x128xf32, #tpu.memory_space<vmem>>
      %dma_wait3A_263 = tpu.memref_squeeze %dma_wait3A_262 : memref<1x128xf32, #tpu.memory_space<vmem>> -> memref<128xf32, #tpu.memory_space<vmem>>
      %dma_wait3A_264 = arith.constant 0 : i32
      %dma_wait3A_265 = tpu.memref_slice %arg5[%add3A_260, %dma_wait3A_264] : memref<200x128xi32, #tpu.memory_space<vmem>> -> memref<1x128xi32, #tpu.memory_space<vmem>>
      %dma_wait3A_266 = tpu.memref_squeeze %dma_wait3A_265 : memref<1x128xi32, #tpu.memory_space<vmem>> -> memref<128xi32, #tpu.memory_space<vmem>>
      %dma_wait3A_267 = arith.constant 0 : i32
      %dma_wait3A_268 = tpu.memref_slice %arg2[%dma_wait3A_267] : memref<1007616xf32, #tpu.memory_space<hbm>> -> memref<1007616xf32, #tpu.memory_space<hbm>>
      tpu.wait_indirect_dma semaphore(%arg8 : memref<!tpu.dma_semaphore, #tpu.memory_space<semaphore_mem>>) src(%dma_wait3A_268 : memref<1007616xf32, #tpu.memory_space<hbm>>) dst(%dma_wait3A_263 : memref<128xf32, #tpu.memory_space<vmem>>)
      %mul3A_269 = arith.constant 8 : i32
      %mul3A_270 = arith.muli %scan3A_102, %mul3A_269 : i32
      %add3A_271 = arith.constant 6 : i32
      %add3A_272 = arith.addi %mul3A_270, %add3A_271 : i32
      %dma_wait3A_273 = arith.constant 0 : i32
      %dma_wait3A_274 = tpu.memref_slice %arg6[%add3A_272, %dma_wait3A_273] : memref<200x128xf32, #tpu.memory_space<vmem>> -> memref<1x128xf32, #tpu.memory_space<vmem>>
      %dma_wait3A_275 = tpu.memref_squeeze %dma_wait3A_274 : memref<1x128xf32, #tpu.memory_space<vmem>> -> memref<128xf32, #tpu.memory_space<vmem>>
      %dma_wait3A_276 = arith.constant 0 : i32
      %dma_wait3A_277 = tpu.memref_slice %arg5[%add3A_272, %dma_wait3A_276] : memref<200x128xi32, #tpu.memory_space<vmem>> -> memref<1x128xi32, #tpu.memory_space<vmem>>
      %dma_wait3A_278 = tpu.memref_squeeze %dma_wait3A_277 : memref<1x128xi32, #tpu.memory_space<vmem>> -> memref<128xi32, #tpu.memory_space<vmem>>
      %dma_wait3A_279 = arith.constant 0 : i32
      %dma_wait3A_280 = tpu.memref_slice %arg2[%dma_wait3A_279] : memref<1007616xf32, #tpu.memory_space<hbm>> -> memref<1007616xf32, #tpu.memory_space<hbm>>
      tpu.wait_indirect_dma semaphore(%arg8 : memref<!tpu.dma_semaphore, #tpu.memory_space<semaphore_mem>>) src(%dma_wait3A_280 : memref<1007616xf32, #tpu.memory_space<hbm>>) dst(%dma_wait3A_275 : memref<128xf32, #tpu.memory_space<vmem>>)
      %mul3A_281 = arith.constant 8 : i32
      %mul3A_282 = arith.muli %scan3A_102, %mul3A_281 : i32
      %add3A_283 = arith.constant 7 : i32
      %add3A_284 = arith.addi %mul3A_282, %add3A_283 : i32
      %dma_wait3A_285 = arith.constant 0 : i32
      %dma_wait3A_286 = tpu.memref_slice %arg6[%add3A_284, %dma_wait3A_285] : memref<200x128xf32, #tpu.memory_space<vmem>> -> memref<1x128xf32, #tpu.memory_space<vmem>>
      %dma_wait3A_287 = tpu.memref_squeeze %dma_wait3A_286 : memref<1x128xf32, #tpu.memory_space<vmem>> -> memref<128xf32, #tpu.memory_space<vmem>>
      %dma_wait3A_288 = arith.constant 0 : i32
      %dma_wait3A_289 = tpu.memref_slice %arg5[%add3A_284, %dma_wait3A_288] : memref<200x128xi32, #tpu.memory_space<vmem>> -> memref<1x128xi32, #tpu.memory_space<vmem>>
      %dma_wait3A_290 = tpu.memref_squeeze %dma_wait3A_289 : memref<1x128xi32, #tpu.memory_space<vmem>> -> memref<128xi32, #tpu.memory_space<vmem>>
      %dma_wait3A_291 = arith.constant 0 : i32
      %dma_wait3A_292 = tpu.memref_slice %arg2[%dma_wait3A_291] : memref<1007616xf32, #tpu.memory_space<hbm>> -> memref<1007616xf32, #tpu.memory_space<hbm>>
      tpu.wait_indirect_dma semaphore(%arg8 : memref<!tpu.dma_semaphore, #tpu.memory_space<semaphore_mem>>) src(%dma_wait3A_292 : memref<1007616xf32, #tpu.memory_space<hbm>>) dst(%dma_wait3A_287 : memref<128xf32, #tpu.memory_space<vmem>>)
    }
    %scan3A_7 = arith.constant 25 : i32
    %broadcast_in_dim3A = arith.constant 0.000000e+00 : f32
    %broadcast_in_dim3A_8 = vector.broadcast %broadcast_in_dim3A : f32 to vector<16xf32>
    %scan3A_9 = arith.constant 0 : i32
    %scan3A_10 = arith.constant 200 : i32
    %scan3A_11 = arith.addi %scan3A_9, %scan3A_10 : i32
    %scan3A_12 = arith.constant 1 : i32
    %scan3A_13 = scf.for %scan3A_102 = %scan3A_9 to %scan3A_11 step %scan3A_12 iter_args(%scan3A_103 = %broadcast_in_dim3A_8) -> (vector<16xf32>)  : i32 {
      %get3A = arith.index_cast %scan3A_102 : i32 to index
      %get3A_104 = arith.constant 0 : index
      %get3A_105 = tpu.vector_load %arg6[%get3A, %get3A_104] {strides = array<i32>} : memref<200x128xf32, #tpu.memory_space<vmem>>, vector<1x16xf32>,
      %get3A_106 = vector.shape_cast %get3A_105 : vector<1x16xf32> to vector<16xf32>
      %add3A_107 = arith.addf %scan3A_103, %get3A_106 : vector<16xf32>
      scf.yield %add3A_107 : vector<16xf32>
    }
    %scan3A_14 = arith.constant 200 : i32
    %swap3A = arith.constant 0 : index
    %swap3A_15 = tpu.vector_load %arg7[%swap3A] {strides = array<i32>} : memref<128xf32, #tpu.memory_space<vmem>>, vector<16xf32>,
    %swap3A_16 = vector.shape_cast %swap3A_15 : vector<16xf32> to vector<16xf32>
    %swap3A_17 = vector.shape_cast %scan3A_13 : vector<16xf32> to vector<16xf32>
    tpu.vector_store %arg7[%swap3A], %swap3A_17 {strides = array<i32>} : memref<128xf32, #tpu.memory_space<vmem>>, vector<16xf32>,
    %broadcast_in_dim3A_18 = arith.constant 0.000000e+00 : f32
    %broadcast_in_dim3A_19 = vector.broadcast %broadcast_in_dim3A_18 : f32 to vector<16xf32>
    %scan3A_20 = arith.constant 0 : i32
    %scan3A_21 = arith.constant 200 : i32
    %scan3A_22 = arith.addi %scan3A_20, %scan3A_21 : i32
    %scan3A_23 = arith.constant 1 : i32
    %scan3A_24 = scf.for %scan3A_102 = %scan3A_20 to %scan3A_22 step %scan3A_23 iter_args(%scan3A_103 = %broadcast_in_dim3A_19) -> (vector<16xf32>)  : i32 {
      %get3A = arith.index_cast %scan3A_102 : i32 to index
      %get3A_104 = arith.constant 16 : index
      %get3A_105 = tpu.vector_load %arg6[%get3A, %get3A_104] {strides = array<i32>} : memref<200x128xf32, #tpu.memory_space<vmem>>, vector<1x16xf32>,
      %get3A_106 = vector.shape_cast %get3A_105 : vector<1x16xf32> to vector<16xf32>
      %add3A_107 = arith.addf %scan3A_103, %get3A_106 : vector<16xf32>
      scf.yield %add3A_107 : vector<16xf32>
    }
    %scan3A_25 = arith.constant 200 : i32
    %swap3A_26 = arith.constant 16 : index
    %swap3A_27 = tpu.vector_load %arg7[%swap3A_26] {strides = array<i32>} : memref<128xf32, #tpu.memory_space<vmem>>, vector<16xf32>,
    %swap3A_28 = vector.shape_cast %swap3A_27 : vector<16xf32> to vector<16xf32>
    %swap3A_29 = vector.shape_cast %scan3A_24 : vector<16xf32> to vector<16xf32>
    tpu.vector_store %arg7[%swap3A_26], %swap3A_29 {strides = array<i32>} : memref<128xf32, #tpu.memory_space<vmem>>, vector<16xf32>,
    %broadcast_in_dim3A_30 = arith.constant 0.000000e+00 : f32
    %broadcast_in_dim3A_31 = vector.broadcast %broadcast_in_dim3A_30 : f32 to vector<16xf32>
    %scan3A_32 = arith.constant 0 : i32
    %scan3A_33 = arith.constant 200 : i32
    %scan3A_34 = arith.addi %scan3A_32, %scan3A_33 : i32
    %scan3A_35 = arith.constant 1 : i32
    %scan3A_36 = scf.for %scan3A_102 = %scan3A_32 to %scan3A_34 step %scan3A_35 iter_args(%scan3A_103 = %broadcast_in_dim3A_31) -> (vector<16xf32>)  : i32 {
      %get3A = arith.index_cast %scan3A_102 : i32 to index
      %get3A_104 = arith.constant 32 : index
      %get3A_105 = tpu.vector_load %arg6[%get3A, %get3A_104] {strides = array<i32>} : memref<200x128xf32, #tpu.memory_space<vmem>>, vector<1x16xf32>,
      %get3A_106 = vector.shape_cast %get3A_105 : vector<1x16xf32> to vector<16xf32>
      %add3A_107 = arith.addf %scan3A_103, %get3A_106 : vector<16xf32>
      scf.yield %add3A_107 : vector<16xf32>
    }
    %scan3A_37 = arith.constant 200 : i32
    %swap3A_38 = arith.constant 32 : index
    %swap3A_39 = tpu.vector_load %arg7[%swap3A_38] {strides = array<i32>} : memref<128xf32, #tpu.memory_space<vmem>>, vector<16xf32>,
    %swap3A_40 = vector.shape_cast %swap3A_39 : vector<16xf32> to vector<16xf32>
    %swap3A_41 = vector.shape_cast %scan3A_36 : vector<16xf32> to vector<16xf32>
    tpu.vector_store %arg7[%swap3A_38], %swap3A_41 {strides = array<i32>} : memref<128xf32, #tpu.memory_space<vmem>>, vector<16xf32>,
    %broadcast_in_dim3A_42 = arith.constant 0.000000e+00 : f32
    %broadcast_in_dim3A_43 = vector.broadcast %broadcast_in_dim3A_42 : f32 to vector<16xf32>
    %scan3A_44 = arith.constant 0 : i32
    %scan3A_45 = arith.constant 200 : i32
    %scan3A_46 = arith.addi %scan3A_44, %scan3A_45 : i32
    %scan3A_47 = arith.constant 1 : i32
    %scan3A_48 = scf.for %scan3A_102 = %scan3A_44 to %scan3A_46 step %scan3A_47 iter_args(%scan3A_103 = %broadcast_in_dim3A_43) -> (vector<16xf32>)  : i32 {
      %get3A = arith.index_cast %scan3A_102 : i32 to index
      %get3A_104 = arith.constant 48 : index
      %get3A_105 = tpu.vector_load %arg6[%get3A, %get3A_104] {strides = array<i32>} : memref<200x128xf32, #tpu.memory_space<vmem>>, vector<1x16xf32>,
      %get3A_106 = vector.shape_cast %get3A_105 : vector<1x16xf32> to vector<16xf32>
      %add3A_107 = arith.addf %scan3A_103, %get3A_106 : vector<16xf32>
      scf.yield %add3A_107 : vector<16xf32>
    }
    %scan3A_49 = arith.constant 200 : i32
    %swap3A_50 = arith.constant 48 : index
    %swap3A_51 = tpu.vector_load %arg7[%swap3A_50] {strides = array<i32>} : memref<128xf32, #tpu.memory_space<vmem>>, vector<16xf32>,
    %swap3A_52 = vector.shape_cast %swap3A_51 : vector<16xf32> to vector<16xf32>
    %swap3A_53 = vector.shape_cast %scan3A_48 : vector<16xf32> to vector<16xf32>
    tpu.vector_store %arg7[%swap3A_50], %swap3A_53 {strides = array<i32>} : memref<128xf32, #tpu.memory_space<vmem>>, vector<16xf32>,
    %broadcast_in_dim3A_54 = arith.constant 0.000000e+00 : f32
    %broadcast_in_dim3A_55 = vector.broadcast %broadcast_in_dim3A_54 : f32 to vector<16xf32>
    %scan3A_56 = arith.constant 0 : i32
    %scan3A_57 = arith.constant 200 : i32
    %scan3A_58 = arith.addi %scan3A_56, %scan3A_57 : i32
    %scan3A_59 = arith.constant 1 : i32
    %scan3A_60 = scf.for %scan3A_102 = %scan3A_56 to %scan3A_58 step %scan3A_59 iter_args(%scan3A_103 = %broadcast_in_dim3A_55) -> (vector<16xf32>)  : i32 {
      %get3A = arith.index_cast %scan3A_102 : i32 to index
      %get3A_104 = arith.constant 64 : index
      %get3A_105 = tpu.vector_load %arg6[%get3A, %get3A_104] {strides = array<i32>} : memref<200x128xf32, #tpu.memory_space<vmem>>, vector<1x16xf32>,
      %get3A_106 = vector.shape_cast %get3A_105 : vector<1x16xf32> to vector<16xf32>
      %add3A_107 = arith.addf %scan3A_103, %get3A_106 : vector<16xf32>
      scf.yield %add3A_107 : vector<16xf32>
    }
    %scan3A_61 = arith.constant 200 : i32
    %swap3A_62 = arith.constant 64 : index
    %swap3A_63 = tpu.vector_load %arg7[%swap3A_62] {strides = array<i32>} : memref<128xf32, #tpu.memory_space<vmem>>, vector<16xf32>,
    %swap3A_64 = vector.shape_cast %swap3A_63 : vector<16xf32> to vector<16xf32>
    %swap3A_65 = vector.shape_cast %scan3A_60 : vector<16xf32> to vector<16xf32>
    tpu.vector_store %arg7[%swap3A_62], %swap3A_65 {strides = array<i32>} : memref<128xf32, #tpu.memory_space<vmem>>, vector<16xf32>,
    %broadcast_in_dim3A_66 = arith.constant 0.000000e+00 : f32
    %broadcast_in_dim3A_67 = vector.broadcast %broadcast_in_dim3A_66 : f32 to vector<16xf32>
    %scan3A_68 = arith.constant 0 : i32
    %scan3A_69 = arith.constant 200 : i32
    %scan3A_70 = arith.addi %scan3A_68, %scan3A_69 : i32
    %scan3A_71 = arith.constant 1 : i32
    %scan3A_72 = scf.for %scan3A_102 = %scan3A_68 to %scan3A_70 step %scan3A_71 iter_args(%scan3A_103 = %broadcast_in_dim3A_67) -> (vector<16xf32>)  : i32 {
      %get3A = arith.index_cast %scan3A_102 : i32 to index
      %get3A_104 = arith.constant 80 : index
      %get3A_105 = tpu.vector_load %arg6[%get3A, %get3A_104] {strides = array<i32>} : memref<200x128xf32, #tpu.memory_space<vmem>>, vector<1x16xf32>,
      %get3A_106 = vector.shape_cast %get3A_105 : vector<1x16xf32> to vector<16xf32>
      %add3A_107 = arith.addf %scan3A_103, %get3A_106 : vector<16xf32>
      scf.yield %add3A_107 : vector<16xf32>
    }
    %scan3A_73 = arith.constant 200 : i32
    %swap3A_74 = arith.constant 80 : index
    %swap3A_75 = tpu.vector_load %arg7[%swap3A_74] {strides = array<i32>} : memref<128xf32, #tpu.memory_space<vmem>>, vector<16xf32>,
    %swap3A_76 = vector.shape_cast %swap3A_75 : vector<16xf32> to vector<16xf32>
    %swap3A_77 = vector.shape_cast %scan3A_72 : vector<16xf32> to vector<16xf32>
    tpu.vector_store %arg7[%swap3A_74], %swap3A_77 {strides = array<i32>} : memref<128xf32, #tpu.memory_space<vmem>>, vector<16xf32>,
    %broadcast_in_dim3A_78 = arith.constant 0.000000e+00 : f32
    %broadcast_in_dim3A_79 = vector.broadcast %broadcast_in_dim3A_78 : f32 to vector<16xf32>
    %scan3A_80 = arith.constant 0 : i32
    %scan3A_81 = arith.constant 200 : i32
    %scan3A_82 = arith.addi %scan3A_80, %scan3A_81 : i32
    %scan3A_83 = arith.constant 1 : i32
    %scan3A_84 = scf.for %scan3A_102 = %scan3A_80 to %scan3A_82 step %scan3A_83 iter_args(%scan3A_103 = %broadcast_in_dim3A_79) -> (vector<16xf32>)  : i32 {
      %get3A = arith.index_cast %scan3A_102 : i32 to index
      %get3A_104 = arith.constant 96 : index
      %get3A_105 = tpu.vector_load %arg6[%get3A, %get3A_104] {strides = array<i32>} : memref<200x128xf32, #tpu.memory_space<vmem>>, vector<1x16xf32>,
      %get3A_106 = vector.shape_cast %get3A_105 : vector<1x16xf32> to vector<16xf32>
      %add3A_107 = arith.addf %scan3A_103, %get3A_106 : vector<16xf32>
      scf.yield %add3A_107 : vector<16xf32>
    }
    %scan3A_85 = arith.constant 200 : i32
    %swap3A_86 = arith.constant 96 : index
    %swap3A_87 = tpu.vector_load %arg7[%swap3A_86] {strides = array<i32>} : memref<128xf32, #tpu.memory_space<vmem>>, vector<16xf32>,
    %swap3A_88 = vector.shape_cast %swap3A_87 : vector<16xf32> to vector<16xf32>
    %swap3A_89 = vector.shape_cast %scan3A_84 : vector<16xf32> to vector<16xf32>
    tpu.vector_store %arg7[%swap3A_86], %swap3A_89 {strides = array<i32>} : memref<128xf32, #tpu.memory_space<vmem>>, vector<16xf32>,
    %broadcast_in_dim3A_90 = arith.constant 0.000000e+00 : f32
    %broadcast_in_dim3A_91 = vector.broadcast %broadcast_in_dim3A_90 : f32 to vector<16xf32>
    %scan3A_92 = arith.constant 0 : i32
    %scan3A_93 = arith.constant 200 : i32
    %scan3A_94 = arith.addi %scan3A_92, %scan3A_93 : i32
    %scan3A_95 = arith.constant 1 : i32
    %scan3A_96 = scf.for %scan3A_102 = %scan3A_92 to %scan3A_94 step %scan3A_95 iter_args(%scan3A_103 = %broadcast_in_dim3A_91) -> (vector<16xf32>)  : i32 {
      %get3A = arith.index_cast %scan3A_102 : i32 to index
      %get3A_104 = arith.constant 112 : index
      %get3A_105 = tpu.vector_load %arg6[%get3A, %get3A_104] {strides = array<i32>} : memref<200x128xf32, #tpu.memory_space<vmem>>, vector<1x16xf32>,
      %get3A_106 = vector.shape_cast %get3A_105 : vector<1x16xf32> to vector<16xf32>
      %add3A_107 = arith.addf %scan3A_103, %get3A_106 : vector<16xf32>
      scf.yield %add3A_107 : vector<16xf32>
    }
    %scan3A_97 = arith.constant 200 : i32
    %swap3A_98 = arith.constant 112 : index
    %swap3A_99 = tpu.vector_load %arg7[%swap3A_98] {strides = array<i32>} : memref<128xf32, #tpu.memory_space<vmem>>, vector<16xf32>,
    %swap3A_100 = vector.shape_cast %swap3A_99 : vector<16xf32> to vector<16xf32>
    %swap3A_101 = vector.shape_cast %scan3A_96 : vector<16xf32> to vector<16xf32>
    tpu.vector_store %arg7[%swap3A_98], %swap3A_101 {strides = array<i32>} : memref<128xf32, #tpu.memory_space<vmem>>, vector<16xf32>,
    "tpu.region"() ({
      %run_scoped3A = tpu.sem_alloc : memref<!tpu.dma_semaphore, #tpu.memory_space<semaphore_mem>>
      %dma_start3A = tpu.memref_slice %arg4[%mul3A_2] : memref<4096xf32, #tpu.memory_space<hbm>> -> memref<128xf32, #tpu.memory_space<hbm>>
      %dma_start3A_102 = tpu.memref_slice %arg4[%mul3A_2] : memref<4096xf32, #tpu.memory_space<hbm>> -> memref<128xf32, #tpu.memory_space<hbm>>
      tpu.enqueue_dma source(%arg7 : memref<128xf32, #tpu.memory_space<vmem>>) target(%dma_start3A_102 : memref<128xf32, #tpu.memory_space<hbm>>) target_semaphore(%run_scoped3A : memref<!tpu.dma_semaphore, #tpu.memory_space<semaphore_mem>>)
      %dma_wait3A = tpu.memref_slice %arg4[%mul3A_2] : memref<4096xf32, #tpu.memory_space<hbm>> -> memref<128xf32, #tpu.memory_space<hbm>>
      %dma_wait3A_103 = tpu.memref_slice %arg4[%mul3A_2] : memref<4096xf32, #tpu.memory_space<hbm>> -> memref<128xf32, #tpu.memory_space<hbm>>
      tpu.wait_dma2 semaphore(%run_scoped3A : memref<!tpu.dma_semaphore, #tpu.memory_space<semaphore_mem>>) src(%arg7 : memref<128xf32, #tpu.memory_space<vmem>>) dst(%dma_wait3A_103 : memref<128xf32, #tpu.memory_space<hbm>>)
      tpu.yield
    }) : () -> ()
    return
  }
}

module attributes {stable_mosaic.version = 14 : i64} {
  func.func @_tvec_body(%arg0: i32, %arg1: memref<8192x64xf32, #tpu.memory_space<vmem>>, %arg2: memref<1x64xf32, #tpu.memory_space<vmem>>, %arg3: memref<1xf32, #tpu.memory_space<smem>>, %arg4: memref<1x1x8192xf32, #tpu.memory_space<vmem>>) attributes {dimension_semantics = [#tpu.dimension_semantics<arbitrary>], iteration_bounds = array<i64: 123>, scalar_prefetch = 0 : i64, scratch_operands = 0 : i64, tpu.core_type = #tpu.core_type<tc>, window_params = [{transform_indices = @transform_0, window_bounds = array<i64: 8192, 64>}, {pipeline_mode = #tpu.pipeline_mode<synchronous>, transform_indices = @transform_1, window_bounds = array<i64: 1, 64>}, {transform_indices = @transform_2, window_bounds = array<i64: 1>}, {transform_indices = @transform_3, window_bounds = array<i64: 1, 1, 8192>}]} {
    %get3A = arith.constant 0 : index
    %get3A_0 = arith.constant 0 : index
    %get3A_1 = vector.load %arg2[%get3A, %get3A_0] : memref<1x64xf32, #tpu.memory_space<vmem>>, vector<1x64xf32>
    %get3A_2 = arith.constant 0 : index
    %get3A_3 = arith.constant 0 : index
    %get3A_4 = vector.load %arg1[%get3A_2, %get3A_3] : memref<8192x64xf32, #tpu.memory_space<vmem>>, vector<8192x64xf32>
    %dot_general3A = arith.constant dense<0.000000e+00> : vector<1x8192xf32>
    %dot_general3A_5 = tpu.matmul %get3A_1, %get3A_4, %dot_general3A {dimension_numbers = #tpu.dot_dimension_numbers<[1], [1], [0], [0], [0, 0, 1, 0], [], []>, transpose_lhs_hint = false} : vector<1x64xf32>, vector<8192x64xf32>, vector<1x8192xf32> -> vector<1x8192xf32>
    %get3A_6 = arith.constant 0 : index
    %get3A_7 = memref.load %arg3[%get3A_6] : memref<1xf32, #tpu.memory_space<smem>>
    %add3A = vector.broadcast %get3A_7 : f32 to vector<1x8192xf32>
    %add3A_8 = arith.addf %dot_general3A_5, %add3A : vector<1x8192xf32>
    %mul3A = arith.constant 5.000000e-03 : f32
    %mul3A_9 = vector.broadcast %mul3A : f32 to vector<1x8192xf32>
    %mul3A_10 = arith.mulf %add3A_8, %mul3A_9 : vector<1x8192xf32>
    %reshape3A = vector.shape_cast %mul3A_10 : vector<1x8192xf32> to vector<1x1x8192xf32>
    %swap3A = arith.constant 0 : index
    %swap3A_11 = arith.constant 0 : index
    %swap3A_12 = arith.constant 0 : index
    %swap3A_13 = vector.load %arg4[%swap3A, %swap3A_11, %swap3A_12] : memref<1x1x8192xf32, #tpu.memory_space<vmem>>, vector<1x1x8192xf32>
    tpu.vector_store %arg4[%swap3A, %swap3A_11, %swap3A_12], %reshape3A {strides = array<i32>} : memref<1x1x8192xf32, #tpu.memory_space<vmem>>, vector<1x1x8192xf32>,
    return
  }
  func.func @transform_0(%arg0: i32) -> (i32, i32) {
    %c0_i32 = arith.constant 0 : i32
    %c0_i32_0 = arith.constant 0 : i32
    return %arg0, %c0_i32 : i32, i32
  }
  func.func @transform_1(%arg0: i32) -> (i32, i32) {
    %c0_i32 = arith.constant 0 : i32
    %c0_i32_0 = arith.constant 0 : i32
    %c0_i32_1 = arith.constant 0 : i32
    return %c0_i32, %c0_i32_0 : i32, i32
  }
  func.func @transform_2(%arg0: i32) -> i32 {
    %c0_i32 = arith.constant 0 : i32
    %c0_i32_0 = arith.constant 0 : i32
    return %c0_i32 : i32
  }
  func.func @transform_3(%arg0: i32) -> (i32, i32, i32) {
    %c0_i32 = arith.constant 0 : i32
    %c0_i32_0 = arith.constant 0 : i32
    %c0_i32_1 = arith.constant 0 : i32
    return %arg0, %c0_i32, %c0_i32_0 : i32, i32, i32
  }
}

</mosaic_0001>

<sc_bundles>
// kernel: kernel.4.cloned.1.call-start
scs
__scs_entry_jumppad:
0x0: {  	(pc) =	sbr.rel $0x88, $3  }
0x1: {  	(tag) =	ssettag $0x0;
	lr =	simm.s32 $0x1  }
0x2: {  	[smem:$0x3F9D] =	sst lr;
	_ =	strace $0xD0000000  }
0x3: {  	_ = 	snop  }
0x4: {  	_ = 	snop  }
0x5: {  	_ = 	snop  }
0x6: {  	_ = 	snop  }
0x7: {  	_ = 	snop  }
__scs_overlays_trampoline_lowered:
0x8: {  	[smem:$0x3FAC] =	sst s0  }
0x9: {  	[smem:$0x3FAD] =	sst s1  }
0xa: {  	[smem:$0x3FAE] =	sst s2  }
0xb: {  	[smem:$0x3FAF] =	sst s3  }
0xc: {  	[smem:$0x3FB0] =	sst s4  }
0xd: {  	[smem:$0x3FB1] =	sst s5  }
0xe: {  	[smem:$0x3FB2] =	sst s6  }
0xf: {  	[smem:$0x3FB3] =	sst s7  }
0x10: {  	[smem:$0x3FB4] =	sst s8  }
0x11: {  	[smem:$0x3FB5] =	sst s9;
	s0 =	simm.s32 @!p0 $0x0  }
0x12: {  	s1 =	sld [smem:$0x3F9B];
	s0 =	simm.s32 @p0 $0x1  }
0x13: {  	[smem:$0x3FB6] =	sst s0;
	s0 =	simm.s32 @!p1 $0x0  }
0x14: {  	s2 =	sld [smem:$0x3F9A];
	s0 =	simm.s32 @p1 $0x1  }
0x15: {  	[smem:$0x3FB7] =	sst s0;
	s0 =	simm.s32 @!p2 $0x0  }
0x16: {  	s3 =	sld [smem:$0x3FDB];
	s0 =	simm.s32 @p2 $0x1  }
0x17: {  	s4 =	simm.s32 $0x1BF5;
	[smem:$0x3FB9] =	sst s0  }
0x18: {  	s0 =	sld [smem:$0x3F9C];
	_ =	swait.ge [sflag:s4], $0x0  }
0x19: {  	s7 =	sld [smem:$0x3F9D]  }
0x1a: {  	s8 =	sadd.s32 $0xFFFFE003, lr  }
0x1b: {  	s9 =	sadd.s32 $0xFFFFFEF7, lr;
	s5 =	simm.s32 $0xFFFFFFFF;
	p2 =	slt.u32 s8, $0xFFFFF086  }
0x1c: {  	p1 =	slt.u32 s9, $0xF7A;
	s5 =	simm.s32 @!p2 $0x0  }
0x1d: {  	s5 =	simm.s32 @p1 $0x1;
	p0 =	seq.s32 s7, s2  }
0x1e: {  	s7 =	smul.u32 @!p0 $0xF7A, s2;
	p2 =	seq.s32 @!p0 s5, $0x0  }
0x1f: {  	s9 =	smul.u32 $0xF7A, s1;
	s8 =	simm.s32 @!p0 $0x1BF5;
	p2 =	por !p2, p0  }
0x20: {  	[sflag:s8] =	ssyncset.s32 @!p0 $0xFFFFF086;
	s6 =	sadd.s32 @!p0 s3, s7;
	s7 =	simm.s32 @!p0 $0x108  }
0x21: {  	s3 =	sadd.s32 s3, s9;
	s6 =	sadd.s32 @!p0 $0x88, s6;
	s7 =	simm.s32 @p2 $0x1082  }
0x22: {  	[simem:s7], [sflag:s8] =	dma.local @!p0 [hbm:s6], $0xF7A  }
0x23: {  	s9 =	sor.u32 $0xD0000000, s2;
	s6 =	simm.s32 $0x108;
	_ =	swait.ge @!p0 [sflag:s8], $0x0  }
0x24: {  	s3 =	sadd.s32 $0x88, s3;
	s6 =	simm.s32 @!p1 $0x1082;
	[sflag:s4] =	ssyncset.s32 $0xFFFFF086  }
0x25: {  	[simem:s6], [sflag:s4] =	dma.local [hbm:s3], $0xF7A  }
0x26: {  	[smem:$0x3F9D] =	sst s1;
	(tag) =	ssettag s2;
	_ =	strace s9  }
0x27: {  	s1 =	sld [smem:$0x3FAD]  }
0x28: {  	s2 =	sld [smem:$0x3FAE]  }
0x29: {  	s4 =	sld [smem:$0x3FB0]  }
0x2a: {  	p0 =	seq.s32 s5, $0x0;
	s5 =	sld [smem:$0x3FB1]  }
0x2b: {  	s6 =	sld [smem:$0x3FB2]  }
0x2c: {  	s7 =	sld [smem:$0x3FB3]  }
0x2d: {  	s3 =	simm.s32 $0x108;
	s8 =	sld [smem:$0x3FB4]  }
0x2e: {  	s3 =	simm.s32 @!p0 $0x1082;
	s9 =	sld [smem:$0x3FB5]  }
0x2f: {  	lr =	sadd.s32 s0, s3;
	s0 =	sld [smem:$0x3FAC]  }
0x30: {  	s3 =	sld [smem:$0x3FAF]  }
0x31: {  	[smem:$0x3FB8] =	sst s10  }
0x32: {  	s10 =	sld [smem:$0x3FB6];
	_ =	sdelay $0x3  }
0x33: {  	p0 =	seq.s32 s10, $0x1;
	s10 =	sld [smem:$0x3FB8];
	_ =	sdelay $0x3  }
0x34: {  	[smem:$0x3FB8] =	sst s10  }
0x35: {  	s10 =	sld [smem:$0x3FB7];
	_ =	sdelay $0x3  }
0x36: {  	p1 =	seq.s32 s10, $0x1;
	s10 =	sld [smem:$0x3FB8];
	_ =	sdelay $0x3  }
0x37: {  	[smem:$0x3FB8] =	sst s10  }
0x38: {  	s10 =	sld [smem:$0x3FB9]  }
0x39: {  	_ = 	snop;
	(pc) =	sbr.ind lr, $3  }
0x3a: {  	_ = 	snop  }
0x3b: {  	_ = 	snop  }
0x3c: {  	p2 =	seq.s32 s10, $0x1;
	s10 =	sld [smem:$0x3FB8]  }
0x3d: {  	_ =	shalt  }
0x3e: {  	_ =	shalt  }
0x3f: {  	_ =	shalt  }
0x40: {  	_ =	shalt  }
0x41: {  	_ =	shalt  }
0x42: {  	_ =	shalt  }
0x43: {  	_ =	shalt  }
0x44: {  	_ =	shalt  }
0x45: {  	_ =	shalt  }
0x46: {  	_ =	shalt  }
0x47: {  	_ =	shalt  }
0x48: {  	_ =	shalt  }
0x49: {  	_ =	shalt  }
0x4a: {  	_ =	shalt  }
0x4b: {  	_ =	shalt  }
0x4c: {  	_ =	shalt  }
0x4d: {  	_ =	shalt  }
0x4e: {  	_ =	shalt  }
0x4f: {  	_ =	shalt  }
0x50: {  	_ =	shalt  }
0x51: {  	_ =	shalt  }
0x52: {  	_ =	shalt  }
0x53: {  	_ =	shalt  }
0x54: {  	_ =	shalt  }
0x55: {  	_ =	shalt  }
0x56: {  	_ =	shalt  }
0x57: {  	_ =	shalt  }
0x58: {  	_ =	shalt  }
0x59: {  	_ =	shalt  }
0x5a: {  	_ =	shalt  }
0x5b: {  	_ =	shalt  }
0x5c: {  	_ =	shalt  }
0x5d: {  	_ =	shalt  }
0x5e: {  	_ =	shalt  }
0x5f: {  	_ =	shalt  }
0x60: {  	_ =	shalt  }
0x61: {  	_ =	shalt  }
0x62: {  	_ =	shalt  }
0x63: {  	_ =	shalt  }
0x64: {  	_ =	shalt  }
0x65: {  	_ =	shalt  }
0x66: {  	_ =	shalt  }
0x67: {  	_ =	shalt  }
0x68: {  	_ =	shalt  }
0x69: {  	_ =	shalt  }
0x6a: {  	_ =	shalt  }
0x6b: {  	_ =	shalt  }
0x6c: {  	_ =	shalt  }
0x6d: {  	_ =	shalt  }
0x6e: {  	_ =	shalt  }
0x6f: {  	_ =	shalt  }
0x70: {  	_ =	shalt  }
0x71: {  	_ =	shalt  }
0x72: {  	_ =	shalt  }
0x73: {  	_ =	shalt  }
0x74: {  	_ =	shalt  }
0x75: {  	_ =	shalt  }
0x76: {  	_ =	shalt  }
0x77: {  	_ =	shalt  }
0x78: {  	_ =	shalt  }
0x79: {  	_ =	shalt  }
0x7a: {  	_ =	shalt  }
0x7b: {  	_ =	shalt  }
0x7c: {  	_ =	shalt  }
0x7d: {  	_ =	shalt  }
0x7e: {  	_ =	shalt  }
0x7f: {  	_ =	shalt  }
0x80: {  	_ =	shalt  }
0x81: {  	_ =	shalt  }
0x82: {  	_ =	shalt  }
0x83: {  	_ =	shalt  }
0x84: {  	_ =	shalt  }
0x85: {  	_ =	shalt  }
0x86: {  	_ =	shalt  }
0x87: {  	_ =	shalt  }
.Lfunc_end0:
.L_simem_size_0:
called_computation_lowered:
.L_overlay_start_0:
0x88: {  	s2 =	sld [smem:$0x3FD9]  }
0x89: {  	s3 =	sld [smem:$0x3FFE];
	_ =	sdelay $0x1  }
0x8a: {  	s1 =	srdreg.scid  }
0x8b: {  	s0 =	sand.u32 $0x1, s1  }
0x8c: {  	s17 =	sshll.u32 s0, $0xA;
	s2 =	sadd.s32 s3, s2  }
0x8d: {  	s2 =	sadd.s32 s2, s17  }
0x8e: {  	[smem:$0x3FC4] =	sst s2  }
0x8f: {  	_ = 	snop  }
0x90: {  	s2 =	sld [smem:$0x3FC9]  }
0x91: {  	s18 =	sld [smem:$0x3FD0];
	(tm) =	ssettm $0x1  }
0x92: {  	s4 =	sld [smem:$0x3FFB];
	_ =	sdelay $0x3  }
0x93: {  	_ =	strace s4  }
0x94: {  	s4 =	sld [smem:$0x3FFC];
	_ =	sdelay $0x3  }
0x95: {  	_ =	strace s4  }
0x96: {  	s4 =	sld [smem:$0x3FFD];
	_ =	sdelay $0x3  }
0x97: {  	_ =	strace s4  }
0x98: {  	_ =	strace $0x8FFFFFFF  }
0x99: {  	s19 =	sld [smem:$0x3FDB];
	_ =	sdelay $0x1  }
0x9a: {  	s5 =	simm.s32 $_scs_section_size  }
0x9b: {  	s6 =	simm.s32 $_size__tile_overlayer_lowered;
	s7 =	simm.s32 $_tile_overlayer_lowered  }
0x9c: {  	s22 =	simm.s32 $0x1BFF;
	s21 =	sshll.u32 s7, $0x1;
	s4 =	sadd.s32 s5, s19  }
0x9d: {  	s8 =	simm.s32 $0x0;
	s20 =	sshll.u32 s6, $0x1;
	s6 =	sadd.s32 s21, s4  }
0x9e: {  	[timem:s8], [sflag:s22] =	dma.local [hbm:s6], s20  }
0x9f: {  	_ =	swait.ge [sflag:s22], s20  }
0xa0: {  	s5 =	ssub.s32 $0x0, s20;
	[sflag:s22] =	ssyncset.done $0x0  }
0xa1: {  	[sflag:s22] =	ssyncadd.s32 s5;
	_ =	sdelay $0x1  }
0xa2: {  	s23 =	simm.s32 $0x1B8B  }
0xa3: {  	_ =	swait.ge [sflag:s23], $0x1  }
0xa4: {  	[sflag:s23] =	ssyncset.done $0x0  }
0xa5: {  	s25 =	simm.s32 $0x1B8E;
	s24 =	sld [smem:$0x3FFE];
	[sflag:s23] =	ssyncadd.s32 $0xFFFFFFFF  }
0xa6: {  	s26 =	simm.s32 $execute0_lowered;
	[smem:$0x3FD2] =	sst s25  }
0xa7: {  	s6 =	sshll.u32 s26, $0x1;
	_ =	strace $0x80000046;
	[dreg:$0x1] =	wrdreg $0xFFFFFFFF  }
0xa8: {  	s28 =	simm.s32 $_size_execute0_lowered;
	s4 =	sadd.s32 s4, s6;
	[dreg:$0x0] =	wrdreg $0x0  }
0xa9: {  	s6 =	sshll.u32 s28, $0x1;
	[dreg:$0x2] =	wrdreg s4  }
0xaa: {  	[dreg:$0x3] =	wrdreg s6  }
0xab: {  	[dreg:$0x4] =	wrdreg $0xC0  }
0xac: {  	_ =	task [dreg:s8], $0x5FFFF  }
0xad: {  	[dreg:$0x1] =	wrdreg $0xFFFFFFFF  }
0xae: {  	[dreg:$0x0] =	wrdreg $0x60  }
0xaf: {  	[dreg:$0x2] =	wrdreg s24  }
0xb0: {  	[dreg:$0x3] =	wrdreg s2  }
0xb1: {  	[dreg:$0x4] =	wrdreg s18  }
0xb2: {  	[dreg:$0x5] =	wrdreg $0x9  }
0xb3: {  	_ =	task.clear_ibuf [dreg:s8], $0x6FFFF;
	_ =	strace $0x90000046  }
0xb4: {  	s29 =	simm.s32 $0x9;
	_ =	strace $0x80000048  }
0xb5: {  	_ =	swait.ge [sflag:s29], $0x1  }
0xb6: {  	[sflag:s29] =	ssyncadd.s32 $0xFFFFFFFF  }
0xb7: {  	_ =	strace $0x90000048  }
0xb8: {  	_ =	sfence  }
0xb9: {  	s30 =	sld [smem:$0x0];
	_ =	sdelay $0x2  }
0xba: {  	s31 =	sshll.u32 s1, $0xD;
	s1 =	sshrl.u32 s1, $0x2  }
0xbb: {  	s3 =	sand.u32 $0x4000, s31;
	s1 =	sadd.s32 s1, s30  }
0xbc: {  	s0 =	sor.u32 s3, s0;
	s1 =	sshll.u32 s1, $0x11  }
0xbd: {  	s0 =	sor.u32 s1, s0  }
0xbe: {  	s0 =	sadd.s32 $0x8F2B, s0  }
0xbf: {  	[sflag:s0] =	ssyncadd.remote.s32 $0x1  }
0xc0: {  	_ =	sfence.sel $0xFFFF  }
0xc1: {  	[dreg:$0x0] =	wrdreg $0xFFFFFFFF;
	(pc) =	sbr.abs _section_cstart, $3  }
0xc2: {  	[dreg:$0x1] =	wrdreg $0xFFFFFFFF  }
0xc3: {  	_ =	task.clear_ibuf [dreg:s8], $0x2FFFF;
	_ =	strace $0x9FFFFFFF  }
0xc4: {  	(tm) =	ssettm $0x7FFFFFFF  }
0xc5: {  	_ =	shalt  }
tec
execute0_lowered:
.L_overlay_start_1:
0x0: {  	(tag) =	ssettag $0x1  }
0x1: {  	s3 =	rddreg [dreg:$0x0]  }
0x2: {  	s4 =	rddreg [dreg:$0x1]  }
0x3: {  	s5 =	rddreg [dreg:$0x2]  }
0x4: {  	s0 =	rddreg [dreg:$0x3]  }
0x5: {  	s2 =	simm.s32 $0x0;
	s6 =	srdreg.scid;
	s1 =	stileid.u32  }
0x6: {  	s10 =	simm.s32 $0x80;
	s11 =	simm.s32 $0x1;
	s12 =	simm.s32 $0xC800  }
0x7: {  	s13 =	simm.s32 $0x0;
	[smem:$0x7FF] =	sst s2;
	s6 =	sand.u32 $0x1, s6  }
0x8: {  	s7 =	sshll.u32 s1, $0x1;
	s3 =	sadd.s32 $0x800, s3;
	s8 =	ssub.s32 $0x2, s6  }
0x9: {  	_ =	strace $0x80000047;
	s6 =	sor.u32 s6, s7;
	s31 =	sshrl.u32 s8, $0x1  }
0xa: {  	s9 =	sshll.u32 s6, $0x7;
	s6 =	sshll.u32 s6, $0x4;
	s7 =	ssub.s32 s8, s31  }
0xb: {  	s4 =	sadd.s32 s4, s9;
	s5 =	sadd.s32 s5, s6;
	s8 =	simm.s32 $0x8000  }
0xc: {  	s9 =	simm.s32 $0x2;
	s6 =	smax.u32 s7, $0x1;
	s7 =	simm.s32 $0x400  }
.LBB2_1:
0xd: {  	[tilespmem:s2], [sflag:$0x2] =	stream.strided.gather [hbm4b:s4+s7], $0x6400, s8, s7, $0x38;
	[tilespmem:$0xC880] =	vst v63  }
0xe: {  	_ =	swait.ge [sflag:s9], $0x6400  }
0xf: {  	[sflag:s9] =	ssyncset.done $0x0  }
0x10: {  	s14 =	simm.s32 $0x0;
	s15 =	simm.s32 $0x6400;
	[sflag:s9] =	ssyncadd.s32 $0xFFFF9C00  }
0x11: {  	[tilespmem:s15], [sflag:$0x1] =	stream.indirect.gather [hbm4b:s3+s10], $0x1, s14, s10, $0xb8;
	[tilespmem:$0xC880] =	vst v63  }
0x12: {  	s17 =	simm.s32 $0x6480;
	s18 =	simm.s32 $0x80  }
0x13: {  	[tilespmem:s17], [sflag:$0x1] =	stream.indirect.gather [hbm4b:s3+s10], $0x1, s18, s10, $0xb8;
	[tilespmem:$0xC880] =	vst v63  }
0x14: {  	s19 =	simm.s32 $0x6500;
	s20 =	simm.s32 $0x100  }
0x15: {  	[tilespmem:s19], [sflag:$0x1] =	stream.indirect.gather [hbm4b:s3+s10], $0x1, s20, s10, $0xb8;
	[tilespmem:$0xC880] =	vst v63  }
0x16: {  	s21 =	simm.s32 $0x6580;
	s22 =	simm.s32 $0x180  }
0x17: {  	[tilespmem:s21], [sflag:$0x1] =	stream.indirect.gather [hbm4b:s3+s10], $0x1, s22, s10, $0xb8;
	[tilespmem:$0xC880] =	vst v63  }
0x18: {  	s23 =	simm.s32 $0x6600;
	s24 =	simm.s32 $0x200  }
0x19: {  	[tilespmem:s23], [sflag:$0x1] =	stream.indirect.gather [hbm4b:s3+s10], $0x1, s24, s10, $0xb8;
	[tilespmem:$0xC880] =	vst v63  }
0x1a: {  	s25 =	simm.s32 $0x6680;
	s26 =	simm.s32 $0x280  }
0x1b: {  	[tilespmem:s25], [sflag:$0x1] =	stream.indirect.gather [hbm4b:s3+s10], $0x1, s26, s10, $0xb8;
	[tilespmem:$0xC880] =	vst v63  }
0x1c: {  	s28 =	simm.s32 $0x6700;
	s29 =	simm.s32 $0x300  }
0x1d: {  	[tilespmem:s28], [sflag:$0x1] =	stream.indirect.gather [hbm4b:s3+s10], $0x1, s29, s10, $0xb8;
	[tilespmem:$0xC880] =	vst v63  }
0x1e: {  	s30 =	simm.s32 $0x6780;
	s31 =	simm.s32 $0x380  }
0x1f: {  	[tilespmem:s30], [sflag:$0x1] =	stream.indirect.gather [hbm4b:s3+s10], $0x1, s31, s10, $0xb8;
	[tilespmem:$0xC880] =	vst v63  }
0x20: {  	_ =	swait.ge [sflag:s11], $0x80  }
0x21: {  	[sflag:s11] =	ssyncset.done $0x0  }
0x22: {  	[sflag:s11] =	ssyncadd.s32 $0xFFFFFF80  }
0x23: {  	_ =	swait.ge [sflag:s11], $0x80  }
0x24: {  	[sflag:s11] =	ssyncset.done $0x0  }
0x25: {  	[sflag:s11] =	ssyncadd.s32 $0xFFFFFF80  }
0x26: {  	_ =	swait.ge [sflag:s11], $0x80  }
0x27: {  	[sflag:s11] =	ssyncset.done $0x0  }
0x28: {  	[sflag:s11] =	ssyncadd.s32 $0xFFFFFF80  }
0x29: {  	_ =	swait.ge [sflag:s11], $0x80  }
0x2a: {  	[sflag:s11] =	ssyncset.done $0x0  }
0x2b: {  	[sflag:s11] =	ssyncadd.s32 $0xFFFFFF80  }
0x2c: {  	_ =	swait.ge [sflag:s11], $0x80  }
0x2d: {  	[sflag:s11] =	ssyncset.done $0x0  }
0x2e: {  	[sflag:s11] =	ssyncadd.s32 $0xFFFFFF80  }
0x2f: {  	_ =	swait.ge [sflag:s11], $0x80  }
0x30: {  	[sflag:s11] =	ssyncset.done $0x0  }
0x31: {  	[sflag:s11] =	ssyncadd.s32 $0xFFFFFF80  }
0x32: {  	_ =	swait.ge [sflag:s11], $0x80  }
0x33: {  	[sflag:s11] =	ssyncset.done $0x0  }
0x34: {  	[sflag:s11] =	ssyncadd.s32 $0xFFFFFF80  }
0x35: {  	_ =	swait.ge [sflag:s11], $0x80  }
0x36: {  	s16 =	simm.s32 $0x400;
	s17 =	simm.s32 $0x2000;
	[sflag:s11] =	ssyncset.done $0x0  }
.LBB2_2:
0x37: {  	s18 =	sadd.s32 $0x6400, s16  }
0x38: {  	[sflag:s11] =	ssyncadd.s32 $0xFFFFFF80;
	s15 =	smov.u32 s17;
	s14 =	sadd.s32 $0x1000, s17  }
0x39: {  	[tilespmem:s18], [sflag:$0x1] =	stream.indirect.gather [hbm4b:s3+s10], $0x1, s16, s10, $0xb8;
	[tilespmem:$0xC880] =	vst v63  }
0x3a: {  	p0 =	sne.s32 s17, $0x18000;
	s17 =	sadd.s32 $0x6480, s16;
	s18 =	sadd.s32 $0x80, s16  }
0x3b: {  	[tilespmem:s17], [sflag:$0x1] =	stream.indirect.gather [hbm4b:s3+s10], $0x1, s18, s10, $0xb8;
	[tilespmem:$0xC880] =	vst v63  }
0x3c: {  	s17 =	sadd.s32 $0x6500, s16;
	s18 =	sadd.s32 $0x100, s16  }
0x3d: {  	[tilespmem:s17], [sflag:$0x1] =	stream.indirect.gather [hbm4b:s3+s10], $0x1, s18, s10, $0xb8;
	[tilespmem:$0xC880] =	vst v63  }
0x3e: {  	s17 =	sadd.s32 $0x6580, s16;
	s18 =	sadd.s32 $0x180, s16  }
0x3f: {  	[tilespmem:s17], [sflag:$0x1] =	stream.indirect.gather [hbm4b:s3+s10], $0x1, s18, s10, $0xb8;
	[tilespmem:$0xC880] =	vst v63  }
0x40: {  	s17 =	sadd.s32 $0x6600, s16;
	s18 =	sadd.s32 $0x200, s16  }
0x41: {  	[tilespmem:s17], [sflag:$0x1] =	stream.indirect.gather [hbm4b:s3+s10], $0x1, s18, s10, $0xb8;
	[tilespmem:$0xC880] =	vst v63  }
0x42: {  	s17 =	sadd.s32 $0x6680, s16;
	s18 =	sadd.s32 $0x280, s16  }
0x43: {  	[tilespmem:s17], [sflag:$0x1] =	stream.indirect.gather [hbm4b:s3+s10], $0x1, s18, s10, $0xb8;
	[tilespmem:$0xC880] =	vst v63  }
0x44: {  	s17 =	sadd.s32 $0x6700, s16;
	s18 =	sadd.s32 $0x300, s16  }
0x45: {  	[tilespmem:s17], [sflag:$0x1] =	stream.indirect.gather [hbm4b:s3+s10], $0x1, s18, s10, $0xb8;
	[tilespmem:$0xC880] =	vst v63  }
0x46: {  	s17 =	sadd.s32 $0x6780, s16;
	s16 =	sadd.s32 $0x380, s16  }
0x47: {  	[tilespmem:s17], [sflag:$0x1] =	stream.indirect.gather [hbm4b:s3+s10], $0x1, s16, s10, $0xb8;
	[tilespmem:$0xC880] =	vst v63  }
0x48: {  	_ =	swait.ge [sflag:s11], $0x80  }
0x49: {  	[sflag:s11] =	ssyncset.done $0x0  }
0x4a: {  	[sflag:s11] =	ssyncadd.s32 $0xFFFFFF80  }
0x4b: {  	_ =	swait.ge [sflag:s11], $0x80  }
0x4c: {  	[sflag:s11] =	ssyncset.done $0x0  }
0x4d: {  	[sflag:s11] =	ssyncadd.s32 $0xFFFFFF80  }
0x4e: {  	_ =	swait.ge [sflag:s11], $0x80  }
0x4f: {  	[sflag:s11] =	ssyncset.done $0x0  }
0x50: {  	[sflag:s11] =	ssyncadd.s32 $0xFFFFFF80  }
0x51: {  	_ =	swait.ge [sflag:s11], $0x80  }
0x52: {  	[sflag:s11] =	ssyncset.done $0x0  }
0x53: {  	[sflag:s11] =	ssyncadd.s32 $0xFFFFFF80  }
0x54: {  	_ =	swait.ge [sflag:s11], $0x80  }
0x55: {  	[sflag:s11] =	ssyncset.done $0x0  }
0x56: {  	[sflag:s11] =	ssyncadd.s32 $0xFFFFFF80  }
0x57: {  	_ =	swait.ge [sflag:s11], $0x80  }
0x58: {  	[sflag:s11] =	ssyncset.done $0x0  }
0x59: {  	[sflag:s11] =	ssyncadd.s32 $0xFFFFFF80  }
.Ltmp0:
0x5a: {  	_ =	swait.ge [sflag:s11], $0x80;
	(pc) =	sbr.rel @p0 .LBB2_2-.Ltmp0, $4  }
0x5b: {  	[sflag:s11] =	ssyncset.done $0x0  }
0x5c: {  	[sflag:s11] =	ssyncadd.s32 $0xFFFFFF80  }
0x5d: {  	_ =	swait.ge [sflag:s11], $0x80  }
0x5e: {  	s16 =	sshra.s32 s15, $0x2;
	s17 =	smov.u32 s14;
	[sflag:s11] =	ssyncset.done $0x0  }
0x5f: {  	s14 =	sadd.s32 $0x6400, s16;
	[sflag:s11] =	ssyncadd.s32 $0xFFFFFF80  }
0x60: {  	[tilespmem:s14], [sflag:$0x1] =	stream.indirect.gather [hbm4b:s3+s10], $0x1, s16, s10, $0xb8;
	[tilespmem:$0xC880] =	vst v63  }
0x61: {  	s17 =	sadd.s32 $0x6480, s16;
	s15 =	sadd.s32 $0x80, s16  }
0x62: {  	[tilespmem:s17], [sflag:$0x1] =	stream.indirect.gather [hbm4b:s3+s10], $0x1, s15, s10, $0xb8;
	[tilespmem:$0xC880] =	vst v63  }
0x63: {  	s18 =	sadd.s32 $0x6500, s16;
	s19 =	sadd.s32 $0x100, s16  }
0x64: {  	[tilespmem:s18], [sflag:$0x1] =	stream.indirect.gather [hbm4b:s3+s10], $0x1, s19, s10, $0xb8;
	[tilespmem:$0xC880] =	vst v63  }
0x65: {  	s20 =	sadd.s32 $0x6580, s16;
	s21 =	sadd.s32 $0x180, s16  }
0x66: {  	[tilespmem:s20], [sflag:$0x1] =	stream.indirect.gather [hbm4b:s3+s10], $0x1, s21, s10, $0xb8;
	[tilespmem:$0xC880] =	vst v63  }
0x67: {  	s22 =	sadd.s32 $0x6600, s16;
	s23 =	sadd.s32 $0x200, s16  }
0x68: {  	[tilespmem:s22], [sflag:$0x1] =	stream.indirect.gather [hbm4b:s3+s10], $0x1, s23, s10, $0xb8;
	[tilespmem:$0xC880] =	vst v63  }
0x69: {  	s24 =	sadd.s32 $0x6680, s16;
	s25 =	sadd.s32 $0x280, s16  }
0x6a: {  	[tilespmem:s24], [sflag:$0x1] =	stream.indirect.gather [hbm4b:s3+s10], $0x1, s25, s10, $0xb8;
	[tilespmem:$0xC880] =	vst v63  }
0x6b: {  	s26 =	sadd.s32 $0x6700, s16;
	s28 =	sadd.s32 $0x300, s16  }
0x6c: {  	[tilespmem:s26], [sflag:$0x1] =	stream.indirect.gather [hbm4b:s3+s10], $0x1, s28, s10, $0xb8;
	[tilespmem:$0xC880] =	vst v63  }
0x6d: {  	s29 =	sadd.s32 $0x6780, s16;
	s30 =	sadd.s32 $0x380, s16  }
0x6e: {  	[tilespmem:s29], [sflag:$0x1] =	stream.indirect.gather [hbm4b:s3+s10], $0x1, s30, s10, $0xb8;
	[tilespmem:$0xC880] =	vst v63  }
0x6f: {  	_ =	swait.ge [sflag:s11], $0x80  }
0x70: {  	[sflag:s11] =	ssyncset.done $0x0  }
0x71: {  	[sflag:s11] =	ssyncadd.s32 $0xFFFFFF80  }
0x72: {  	_ =	swait.ge [sflag:s11], $0x80  }
0x73: {  	[sflag:s11] =	ssyncset.done $0x0  }
0x74: {  	[sflag:s11] =	ssyncadd.s32 $0xFFFFFF80  }
0x75: {  	_ =	swait.ge [sflag:s11], $0x80  }
0x76: {  	[sflag:s11] =	ssyncset.done $0x0  }
0x77: {  	[sflag:s11] =	ssyncadd.s32 $0xFFFFFF80  }
0x78: {  	_ =	swait.ge [sflag:s11], $0x80  }
0x79: {  	[sflag:s11] =	ssyncset.done $0x0  }
0x7a: {  	[sflag:s11] =	ssyncadd.s32 $0xFFFFFF80  }
0x7b: {  	_ =	swait.ge [sflag:s11], $0x80  }
0x7c: {  	[sflag:s11] =	ssyncset.done $0x0  }
0x7d: {  	[sflag:s11] =	ssyncadd.s32 $0xFFFFFF80  }
0x7e: {  	_ =	swait.ge [sflag:s11], $0x80  }
0x7f: {  	[sflag:s11] =	ssyncset.done $0x0  }
0x80: {  	[sflag:s11] =	ssyncadd.s32 $0xFFFFFF80  }
0x81: {  	_ =	swait.ge [sflag:s11], $0x80  }
0x82: {  	[sflag:s11] =	ssyncset.done $0x0  }
0x83: {  	[sflag:s11] =	ssyncadd.s32 $0xFFFFFF80  }
0x84: {  	_ =	swait.ge [sflag:s11], $0x80  }
0x85: {  	[sflag:s11] =	ssyncset.done $0x0  }
0x86: {  	s31 =	simm.s32 $0x0;
	[sflag:s11] =	ssyncadd.s32 $0xFFFFFF80  }
0x87: {  	v0 =	vimm.f32 $0.0e+00;
	s14 =	simm.s32 $0x200;
	v1 =	vld [tilespmem:s31+$0x6400]  }
.LBB2_4:
0x88: {  	p0 =	sne.s32 s14, $0x18E00  }
.Ltmp1:
0x89: {  	_ = 	snop;
	(pc) =	sbr.rel @p0 .LBB2_4-.Ltmp1, $3  }
0x8a: {  	_ =	sdelay $0x1  }
0x8b: {  	s15 =	sshra.s32 s14, $0x2;
	s14 =	sadd.s32 $0x200, s14;
	v0 =	vadd.f32 v1, v0  }
0x8c: {  	v1 =	vld [tilespmem:s15+$0x6400]  }
0x8d: {  	_ =	sdelay $0x3  }
0x8e: {  	v0 =	vadd.f32 v1, v0;
	_ =	sdelay $0x1  }
0x8f: {  	s15 =	simm.s32 $0x10;
	[tilespmem:$0xC800] =	vst v0  }
0x90: {  	s14 =	simm.s32 $0x240;
	v0 =	vimm.f32 $0.0e+00;
	v1 =	vld [tilespmem:s15+$0x6400]  }
.LBB2_6:
0x91: {  	p0 =	sne.s32 s14, $0x18E40  }
.Ltmp2:
0x92: {  	_ = 	snop;
	(pc) =	sbr.rel @p0 .LBB2_6-.Ltmp2, $3  }
0x93: {  	_ =	sdelay $0x1  }
0x94: {  	s15 =	sshra.s32 s14, $0x2;
	s14 =	sadd.s32 $0x200, s14;
	v0 =	vadd.f32 v1, v0  }
0x95: {  	v1 =	vld [tilespmem:s15+$0x6400]  }
0x96: {  	_ =	sdelay $0x3  }
0x97: {  	v0 =	vadd.f32 v1, v0;
	_ =	sdelay $0x1  }
0x98: {  	s15 =	simm.s32 $0x20;
	[tilespmem:$0xC810] =	vst v0  }
0x99: {  	s14 =	simm.s32 $0x280;
	v0 =	vimm.f32 $0.0e+00;
	v1 =	vld [tilespmem:s15+$0x6400]  }
.LBB2_8:
0x9a: {  	p0 =	sne.s32 s14, $0x18E80  }
.Ltmp3:
0x9b: {  	_ = 	snop;
	(pc) =	sbr.rel @p0 .LBB2_8-.Ltmp3, $3  }
0x9c: {  	_ =	sdelay $0x1  }
0x9d: {  	s15 =	sshra.s32 s14, $0x2;
	s14 =	sadd.s32 $0x200, s14;
	v0 =	vadd.f32 v1, v0  }
0x9e: {  	v1 =	vld [tilespmem:s15+$0x6400]  }
0x9f: {  	_ =	sdelay $0x3  }
0xa0: {  	v0 =	vadd.f32 v1, v0;
	_ =	sdelay $0x1  }
0xa1: {  	s15 =	simm.s32 $0x30;
	[tilespmem:$0xC820] =	vst v0  }
0xa2: {  	s14 =	simm.s32 $0x2C0;
	v0 =	vimm.f32 $0.0e+00;
	v1 =	vld [tilespmem:s15+$0x6400]  }
.LBB2_10:
0xa3: {  	p0 =	sne.s32 s14, $0x18EC0  }
.Ltmp4:
0xa4: {  	_ = 	snop;
	(pc) =	sbr.rel @p0 .LBB2_10-.Ltmp4, $3  }
0xa5: {  	_ =	sdelay $0x1  }
0xa6: {  	s15 =	sshra.s32 s14, $0x2;
	s14 =	sadd.s32 $0x200, s14;
	v0 =	vadd.f32 v1, v0  }
0xa7: {  	v1 =	vld [tilespmem:s15+$0x6400]  }
0xa8: {  	_ =	sdelay $0x3  }
0xa9: {  	v0 =	vadd.f32 v1, v0;
	_ =	sdelay $0x1  }
0xaa: {  	s15 =	simm.s32 $0x40;
	[tilespmem:$0xC830] =	vst v0  }
0xab: {  	s14 =	simm.s32 $0x300;
	v0 =	vimm.f32 $0.0e+00;
	v1 =	vld [tilespmem:s15+$0x6400]  }
.LBB2_12:
0xac: {  	p0 =	sne.s32 s14, $0x18F00  }
.Ltmp5:
0xad: {  	_ = 	snop;
	(pc) =	sbr.rel @p0 .LBB2_12-.Ltmp5, $3  }
0xae: {  	_ =	sdelay $0x1  }
0xaf: {  	s15 =	sshra.s32 s14, $0x2;
	s14 =	sadd.s32 $0x200, s14;
	v0 =	vadd.f32 v1, v0  }
0xb0: {  	v1 =	vld [tilespmem:s15+$0x6400]  }
0xb1: {  	_ =	sdelay $0x3  }
0xb2: {  	v0 =	vadd.f32 v1, v0;
	_ =	sdelay $0x1  }
0xb3: {  	s15 =	simm.s32 $0x50;
	[tilespmem:$0xC840] =	vst v0  }
0xb4: {  	s14 =	simm.s32 $0x340;
	v0 =	vimm.f32 $0.0e+00;
	v1 =	vld [tilespmem:s15+$0x6400]  }
.LBB2_14:
0xb5: {  	p0 =	sne.s32 s14, $0x18F40  }
.Ltmp6:
0xb6: {  	_ = 	snop;
	(pc) =	sbr.rel @p0 .LBB2_14-.Ltmp6, $3  }
0xb7: {  	_ =	sdelay $0x1  }
0xb8: {  	s15 =	sshra.s32 s14, $0x2;
	s14 =	sadd.s32 $0x200, s14;
	v0 =	vadd.f32 v1, v0  }
0xb9: {  	v1 =	vld [tilespmem:s15+$0x6400]  }
0xba: {  	_ =	sdelay $0x3  }
0xbb: {  	v0 =	vadd.f32 v1, v0;
	_ =	sdelay $0x1  }
0xbc: {  	s15 =	simm.s32 $0x60;
	[tilespmem:$0xC850] =	vst v0  }
0xbd: {  	s14 =	simm.s32 $0x380;
	v0 =	vimm.f32 $0.0e+00;
	v1 =	vld [tilespmem:s15+$0x6400]  }
.LBB2_16:
0xbe: {  	p0 =	sne.s32 s14, $0x18F80  }
.Ltmp7:
0xbf: {  	_ = 	snop;
	(pc) =	sbr.rel @p0 .LBB2_16-.Ltmp7, $3  }
0xc0: {  	_ =	sdelay $0x1  }
0xc1: {  	s15 =	sshra.s32 s14, $0x2;
	s14 =	sadd.s32 $0x200, s14;
	v0 =	vadd.f32 v1, v0  }
0xc2: {  	v1 =	vld [tilespmem:s15+$0x6400]  }
0xc3: {  	_ =	sdelay $0x3  }
0xc4: {  	v0 =	vadd.f32 v1, v0;
	_ =	sdelay $0x1  }
0xc5: {  	s15 =	simm.s32 $0x70;
	[tilespmem:$0xC860] =	vst v0  }
0xc6: {  	s14 =	simm.s32 $0x3C0;
	v0 =	vimm.f32 $0.0e+00;
	v1 =	vld [tilespmem:s15+$0x6400]  }
.LBB2_18:
0xc7: {  	p0 =	sne.s32 s14, $0x18FC0  }
.Ltmp8:
0xc8: {  	_ = 	snop;
	(pc) =	sbr.rel @p0 .LBB2_18-.Ltmp8, $3  }
0xc9: {  	_ =	sdelay $0x1  }
0xca: {  	s15 =	sshra.s32 s14, $0x2;
	s14 =	sadd.s32 $0x200, s14;
	v0 =	vadd.f32 v1, v0  }
0xcb: {  	v1 =	vld [tilespmem:s15+$0x6400]  }
0xcc: {  	_ =	sdelay $0x3  }
0xcd: {  	s13 =	sadd.s32 $0x1, s13;
	v0 =	vadd.f32 v1, v0  }
0xce: {  	p0 =	sne.s32 s13, s6  }
.Ltmp9:
0xcf: {  	[tilespmem:$0xC870] =	vst v0;
	(pc) =	sbr.rel @p0 .LBB2_1-.Ltmp9, $4  }
0xd0: {  	[hbm4b:s5+s2] =	stream.linear.scatter [tilespmem:s12], [sflag:$0x2], $0x80, $0x38;
	[tilespmem:$0xC880] =	vst v63  }
0xd1: {  	_ =	swait.ge [sflag:s9], $0x80  }
0xd2: {  	[sflag:s9] =	ssyncset.done $0x0  }
0xd3: {  	[sflag:s9] =	ssyncadd.s32 $0xFFFFFF80  }
0xd4: {  	_ =	sfence.sel $0x180000  }
0xd5: {  	[bflag:$0x0] =	sbarrier.arrive $0xFFFF  }
0xd6: {  	p0 =	sne.s32 s1, $0x0;
	_ =	strace $0x90000047  }
0xd7: {  	s0 =	sadd.s32 @!p0 $0x100000, s0;
	[bflag:$0x2] =	sbarrier.arrive $0xFFFF  }
0xd8: {  	[sflag:s0] =	ssyncadd.tile.s32 @!p0 $0x1;
	_ =	shalt  }
.Lfunc_end2:
_tile_overlayer_lowered:
.L_overlay_start_2:
0xd9: {  	(tag) =	ssettag $0x2  }
0xda: {  	s0 =	rddreg [dreg:$0x0];
	s2 =	stileid.u32  }
0xdb: {  	s1 =	rddreg [dreg:$0x1];
	p0 =	sne.s32 s2, $0x0  }
0xdc: {  	s3 =	rddreg [dreg:$0x2];
	[bflag:$0x3] =	sbarrier.arrive $0xFFFF;
	s2 =	simm.s32 @!p0 $0x1C02  }
0xdd: {  	[timem:s3], [sflag:s2] =	dma.local @!p0 [hbm:s0], s1  }
0xde: {  	s0 =	simm.s32 @!p0 $0x2  }
0xdf: {  	_ =	swait.ge @!p0 [sflag:s0], s1  }
0xe0: {  	s1 =	ssub.s32 @!p0 $0x0, s1;
	[sflag:s0] =	ssyncset.done @!p0 $0x0  }
0xe1: {  	[sflag:s0] =	ssyncadd.s32 @!p0 s1  }
0xe2: {  	[bflag:$0x3] =	sbarrier.arrive $0xFFFF  }
0xe3: {  	_ =	shalt  }

</sc_bundles>
